<compile_context>
chip_gen: v7x
topology: tpu7x:2x2x1
jax: 0.10.2.dev20260603
libtpu: 0.0.44.dev20260713+nightly
codegen_flags: <defaults>
</compile_context>

<pallas_src>
import functools

import jax
import jax.numpy as jnp
from jax import lax
from jax.experimental import pallas as pl
from jax.experimental.pallas import tpu as pltpu
from jax.experimental.pallas import tpu_sc as plsc

B = 16384
V1 = 100001
EMB = 32
HID = 256
OUT = 128
NUM = 3
N_FEAT = 131

_TBLK = 1024
_NTB = 98
_VPAD = _TBLK * _NTB

_NC, _NS = 2, 16
_NW = _NC * _NS
_BPW = B // _NW
_BPC = 128


_Q = _VPAD // 4


_QB = _TBLK // 4


def _transpose_body(*refs):
    xs, outs = refs[:16], refs[16:]
    ident = (lax.broadcasted_iota(jnp.int32, (4 * EMB, 4 * EMB), 0)
             == lax.broadcasted_iota(jnp.int32, (4 * EMB, 4 * EMB), 1)
             ).astype(jnp.float32)
    for t in range(4):
        x4 = jnp.concatenate([xs[4 * t + a][...] for a in range(4)], axis=0)
        outs[t][...] = lax.dot_general(
            x4, ident, (((0,), (0,)), ((), ())),
            preferred_element_type=jnp.float32)


def _tquarter_spec(a):
    return pl.BlockSpec((EMB, _QB), lambda i, a=a: (0, a * _NTB + i))


_tc_transpose = pl.pallas_call(
    _transpose_body,
    grid=(_NTB,),
    in_specs=[_tquarter_spec(a) for _ in range(4) for a in range(4)],
    out_specs=[pl.BlockSpec((_QB, 4 * EMB), lambda i: (i, 0))
               for _ in range(4)],
    out_shape=[jax.ShapeDtypeStruct((_Q, 4 * EMB), jnp.float32)] * 4,
)


def _sc_gather_body(i0, i1, i2, i3, t0, t1, t2, t3, o0, o1, o2, o3,
                    idx0, idx1, idx2, idx3, r0, r1, r2, r3, sem):
    wid = lax.axis_index("s") * _NC + lax.axis_index("c")
    base = wid * _BPW
    idxs = (idx0, idx1, idx2, idx3)
    rows = (r0, r1, r2, r3)
    tabs = (t0, t1, t2, t3)
    encs = (i0, i1, i2, i3)
    outs = (o0, o1, o2, o3)
    for t in range(4):
        pltpu.sync_copy(encs[t].at[pl.ds(base, _BPW)], idxs[t])
    for c in range(_BPW // _BPC):
        cbase = c * _BPC
        cps = [pltpu.async_copy(tabs[t].at[idxs[t].at[pl.ds(cbase, _BPC)]],
                                rows[t], sem)
               for t in range(4)]
        for cp in cps:
            cp.wait()
        for t in range(4):
            pltpu.sync_copy(rows[t],
                            outs[t].at[pl.ds(base + cbase, _BPC), :])


@functools.cache
def _sc_gather():
    return pl.kernel(
        _sc_gather_body,
        out_type=[jax.ShapeDtypeStruct((B, 4 * EMB), jnp.float32)] * 4,
        mesh=plsc.VectorSubcoreMesh(core_axis_name="c", subcore_axis_name="s",
                                    num_cores=_NC, num_subcores=_NS),
        compiler_params=pltpu.CompilerParams(use_tc_tiling_on_sc=False),
        scratch_types=(
            [pltpu.VMEM((_BPW,), jnp.int32) for _ in range(4)]
            + [pltpu.VMEM((_BPC, 4 * EMB), jnp.float32) for _ in range(4)]
            + [pltpu.SemaphoreType.DMA]
        ),
    )


_BBLK = 1024


def _quarter(g, q):
    lane_q = lax.broadcasted_iota(jnp.int32, g.shape, 1) // EMB
    m = jnp.where(lane_q == q, g, 0.0)
    return ((m[:, :EMB] + m[:, EMB:2 * EMB])
            + (m[:, 2 * EMB:3 * EMB] + m[:, 3 * EMB:]))


def _tc_mlp_body(g0_ref, g1_ref, g2_ref, g3_ref, q_ref, num_ref,
                 ge_ref, be_ref, gn_ref, bn_ref,
                 w1a_ref, w1b_ref, b1_ref, g1l_ref, bb1_ref,
                 w2_ref, b2_ref, o_ref):
    q = q_ref[...]
    e = jnp.concatenate(
        [_quarter(g0_ref[...], q[:, 0:1]),
         _quarter(g1_ref[...], q[:, 1:2]),
         _quarter(g2_ref[...], q[:, 2:3]),
         _quarter(g3_ref[...], q[:, 3:4])], axis=-1)
    num = num_ref[...]
    inv_n = 1.0 / N_FEAT
    s = jnp.sum(e, axis=-1, keepdims=True) + jnp.sum(num, axis=-1, keepdims=True)
    mu = s * inv_n
    ss = (jnp.sum(e * e, axis=-1, keepdims=True)
          + jnp.sum(num * num, axis=-1, keepdims=True))
    var = ss * inv_n - mu * mu
    rstd = lax.rsqrt(var + 1e-5)
    en = (e - mu) * rstd * ge_ref[...] + be_ref[...]
    nn = (num - mu) * rstd * gn_ref[...] + bn_ref[...]
    h = (jnp.dot(en, w1a_ref[...], preferred_element_type=jnp.float32)
         + jnp.dot(nn, w1b_ref[...], preferred_element_type=jnp.float32)
         + b1_ref[...])
    h = jnp.maximum(h, 0.0)
    mu1 = jnp.mean(h, axis=-1, keepdims=True)
    var1 = jnp.mean(h * h, axis=-1, keepdims=True) - mu1 * mu1
    hn = (h - mu1) * lax.rsqrt(var1 + 1e-5) * g1l_ref[...] + bb1_ref[...]
    o = jnp.dot(hn, w2_ref[...], preferred_element_type=jnp.float32) + b2_ref[...]
    nrm = jnp.maximum(jnp.sqrt(jnp.sum(o * o, axis=-1, keepdims=True)), 1e-8)
    o_ref[...] = o / nrm


def _full(shape):
    return pl.BlockSpec(shape, lambda i: (0,) * len(shape))


_tc_mlp = pl.pallas_call(
    _tc_mlp_body,
    grid=(B // _BBLK,),
    in_specs=(
        [pl.BlockSpec((_BBLK, 4 * EMB), lambda i: (i, 0)) for _ in range(4)]
        + [
            pl.BlockSpec((_BBLK, 4), lambda i: (i, 0)),
            pl.BlockSpec((_BBLK, NUM), lambda i: (i, 0)),
            _full((1, 4 * EMB)), _full((1, 4 * EMB)),
            _full((1, NUM)), _full((1, NUM)),
            _full((4 * EMB, HID)), _full((NUM, HID)), _full((1, HID)),
            _full((1, HID)), _full((1, HID)),
            _full((HID, OUT)), _full((1, OUT)),
        ]
    ),
    out_specs=pl.BlockSpec((_BBLK, OUT), lambda i: (i, 0)),
    out_shape=jax.ShapeDtypeStruct((B, OUT), jnp.float32),
)


@jax.jit
def kernel(pt_enc, ig_enc, cg_enc, gg_enc, item_num, pt_tab, ig_tab, cg_tab,
           gg_tab, ln0_g, ln0_b, W1, b1, ln1_g, ln1_b, W2, b2):
    encs = [e.astype(jnp.int32) for e in (pt_enc, ig_enc, cg_enc, gg_enc)]
    qs = [e // _Q for e in encs]
    fused = [e - qv * _Q for e, qv in zip(encs, qs)]
    q = jnp.stack(qs, axis=-1)
    tts = [pt_tab.T, ig_tab.T, cg_tab.T, gg_tab.T]
    p0, p1, p2, p3 = _tc_transpose(*[tt for tt in tts for _ in range(4)])
    g0, g1, g2, g3 = _sc_gather()(*fused, p0, p1, p2, p3)
    ge = ln0_g[:4 * EMB].reshape(1, -1)
    be = ln0_b[:4 * EMB].reshape(1, -1)
    gn = ln0_g[4 * EMB:].reshape(1, -1)
    bn = ln0_b[4 * EMB:].reshape(1, -1)
    return _tc_mlp(g0, g1, g2, g3, q, item_num, ge, be, gn, bn,
                   W1[:4 * EMB], W1[4 * EMB:], b1.reshape(1, -1),
                   ln1_g.reshape(1, -1), ln1_b.reshape(1, -1),
                   W2, b2.reshape(1, -1))

# --- scband reference (transcript-rebuilt; emitter-appended) ---
"""Pipeline reference for scband-item-tower-30124900614655 (READ-ONLY COPY).

The authoritative reference and input builder live on the scoring server;
editing this copy changes nothing except your own understanding.
"""

import jax, jax.numpy as jnp
import numpy as np

B = 16384
V = 100000
EMB = 32
HID = 256
OUT = 128
IN_DIM = 4 * EMB + 3


def _layernorm(x, g, b, eps=1e-5):
    m = jnp.mean(x, axis=-1, keepdims=True)
    v = jnp.var(x, axis=-1, keepdims=True)
    return (x - m) / jnp.sqrt(v + eps) * g + b


def setup_inputs(seed: int = 0) -> dict:
    key = jax.random.key(seed)
    ks = jax.random.split(key, 12)
    inp = {}
    inp["pt_enc"] = jax.random.randint(ks[0], (B,), 0, V)
    inp["ig_enc"] = jax.random.randint(ks[1], (B,), 0, V)
    inp["cg_enc"] = jax.random.randint(ks[2], (B,), 0, V)
    inp["gg_enc"] = jax.random.randint(ks[3], (B,), 0, V)
    inp["item_num"] = jax.random.normal(ks[4], (B, 3), dtype=jnp.float32)
    inp["pt_tab"] = jax.random.normal(ks[5], (V + 1, EMB), dtype=jnp.float32) * 0.02
    inp["ig_tab"] = jax.random.normal(ks[6], (V + 1, EMB), dtype=jnp.float32) * 0.02
    inp["cg_tab"] = jax.random.normal(ks[7], (V + 1, EMB), dtype=jnp.float32) * 0.02
    inp["gg_tab"] = jax.random.normal(ks[8], (V + 1, EMB), dtype=jnp.float32) * 0.02
    inp["ln0_g"] = jnp.ones((IN_DIM,), dtype=jnp.float32)
    inp["ln0_b"] = jnp.zeros((IN_DIM,), dtype=jnp.float32)
    inp["W1"] = jax.random.normal(ks[9], (IN_DIM, HID), dtype=jnp.float32) * 0.05
    inp["b1"] = jnp.zeros((HID,), dtype=jnp.float32)
    inp["ln1_g"] = jnp.ones((HID,), dtype=jnp.float32)
    inp["ln1_b"] = jnp.zeros((HID,), dtype=jnp.float32)
    inp["W2"] = jax.random.normal(ks[10], (HID, OUT), dtype=jnp.float32) * 0.05
    inp["b2"] = jnp.zeros((OUT,), dtype=jnp.float32)
    return inp


def reference(pt_enc, ig_enc, cg_enc, gg_enc, item_num, pt_tab, ig_tab, cg_tab, gg_tab, ln0_g, ln0_b, W1, b1, ln1_g, ln1_b, W2, b2):
    pt = jnp.take(pt_tab, pt_enc, axis=0)
    ig = jnp.take(ig_tab, ig_enc, axis=0)
    cg = jnp.take(cg_tab, cg_enc, axis=0)
    gg = jnp.take(gg_tab, gg_enc, axis=0)
    x = jnp.concatenate([pt, ig, cg, gg, item_num], axis=-1)
    x = _layernorm(x, ln0_g, ln0_b)
    h = jnp.maximum(x @ W1 + b1, 0.0)
    h = _layernorm(h, ln1_g, ln1_b)
    o = h @ W2 + b2
    n = jnp.maximum(jnp.linalg.norm(o, axis=-1, keepdims=True), 1e-8)
    return o / n

if __name__ == "__main__":
    import jax
    _d = setup_inputs()
    print(jax.jit(kernel)(*tuple(_d.values())))

</pallas_src>

<mosaic_0001>
#map = affine_map<(d0, d1) -> (0)>
#map1 = affine_map<(d0, d1) -> (0, 0)>
module attributes {stable_mosaic.version = 14 : i64} {
  func.func @_sc_gather_body(%arg0: i32, %arg1: i32, %arg2: memref<16384xi32, #tpu.memory_space<hbm>>, %arg3: memref<16384xi32, #tpu.memory_space<hbm>>, %arg4: memref<16384xi32, #tpu.memory_space<hbm>>, %arg5: memref<16384xi32, #tpu.memory_space<hbm>>, %arg6: memref<25088x128xf32, #tpu.memory_space<hbm>>, %arg7: memref<25088x128xf32, #tpu.memory_space<hbm>>, %arg8: memref<25088x128xf32, #tpu.memory_space<hbm>>, %arg9: memref<25088x128xf32, #tpu.memory_space<hbm>>, %arg10: memref<16384x128xf32, #tpu.memory_space<hbm>>, %arg11: memref<16384x128xf32, #tpu.memory_space<hbm>>, %arg12: memref<16384x128xf32, #tpu.memory_space<hbm>>, %arg13: memref<16384x128xf32, #tpu.memory_space<hbm>>, %arg14: memref<512xi32, #tpu.memory_space<vmem>>, %arg15: memref<512xi32, #tpu.memory_space<vmem>>, %arg16: memref<512xi32, #tpu.memory_space<vmem>>, %arg17: memref<512xi32, #tpu.memory_space<vmem>>, %arg18: memref<128x128xf32, #tpu.memory_space<vmem>>, %arg19: memref<128x128xf32, #tpu.memory_space<vmem>>, %arg20: memref<128x128xf32, #tpu.memory_space<vmem>>, %arg21: memref<128x128xf32, #tpu.memory_space<vmem>>, %arg22: memref<!tpu.dma_semaphore, #tpu.memory_space<semaphore_mem>>) attributes {dimension_semantics = [#tpu.dimension_semantics<core_parallel>, #tpu.dimension_semantics<subcore_parallel>], iteration_bounds = array<i64: 2, 16>, scalar_prefetch = 0 : i64, scratch_operands = 9 : i64, tpu.core_type = #tpu.core_type<sc_vector_subcore>, window_params = [{transform_indices = #map}, {transform_indices = #map}, {transform_indices = #map}, {transform_indices = #map}, {transform_indices = #map1}, {transform_indices = #map1}, {transform_indices = #map1}, {transform_indices = #map1}, {transform_indices = #map1}, {transform_indices = #map1}, {transform_indices = #map1}, {transform_indices = #map1}]} {
    %mul3A = arith.constant 2 : i32
    %mul3A_0 = arith.muli %arg1, %mul3A : i32
    %add3A = arith.addi %mul3A_0, %arg0 : i32
    %mul3A_1 = arith.constant 512 : i32
    %mul3A_2 = arith.muli %add3A, %mul3A_1 : i32
    "tpu.region"() ({
      %run_scoped3A = tpu.sem_alloc : memref<!tpu.dma_semaphore, #tpu.memory_space<semaphore_mem>>
      %dma_start3A_193 = tpu.memref_slice %arg2[%mul3A_2] : memref<16384xi32, #tpu.memory_space<hbm>> -> memref<512xi32, #tpu.memory_space<hbm>>
      %dma_start3A_194 = tpu.memref_slice %arg2[%mul3A_2] : memref<16384xi32, #tpu.memory_space<hbm>> -> memref<512xi32, #tpu.memory_space<hbm>>
      tpu.enqueue_dma source(%dma_start3A_194 : memref<512xi32, #tpu.memory_space<hbm>>) target(%arg14 : memref<512xi32, #tpu.memory_space<vmem>>) target_semaphore(%run_scoped3A : memref<!tpu.dma_semaphore, #tpu.memory_space<semaphore_mem>>)
      %dma_wait3A_195 = tpu.memref_slice %arg2[%mul3A_2] : memref<16384xi32, #tpu.memory_space<hbm>> -> memref<512xi32, #tpu.memory_space<hbm>>
      %dma_wait3A_196 = tpu.memref_slice %arg2[%mul3A_2] : memref<16384xi32, #tpu.memory_space<hbm>> -> memref<512xi32, #tpu.memory_space<hbm>>
      tpu.wait_dma2 semaphore(%run_scoped3A : memref<!tpu.dma_semaphore, #tpu.memory_space<semaphore_mem>>) src(%dma_wait3A_196 : memref<512xi32, #tpu.memory_space<hbm>>) dst(%arg14 : memref<512xi32, #tpu.memory_space<vmem>>)
      tpu.yield
    }) : () -> ()
    "tpu.region"() ({
      %run_scoped3A = tpu.sem_alloc : memref<!tpu.dma_semaphore, #tpu.memory_space<semaphore_mem>>
      %dma_start3A_193 = tpu.memref_slice %arg3[%mul3A_2] : memref<16384xi32, #tpu.memory_space<hbm>> -> memref<512xi32, #tpu.memory_space<hbm>>
      %dma_start3A_194 = tpu.memref_slice %arg3[%mul3A_2] : memref<16384xi32, #tpu.memory_space<hbm>> -> memref<512xi32, #tpu.memory_space<hbm>>
      tpu.enqueue_dma source(%dma_start3A_194 : memref<512xi32, #tpu.memory_space<hbm>>) target(%arg15 : memref<512xi32, #tpu.memory_space<vmem>>) target_semaphore(%run_scoped3A : memref<!tpu.dma_semaphore, #tpu.memory_space<semaphore_mem>>)
      %dma_wait3A_195 = tpu.memref_slice %arg3[%mul3A_2] : memref<16384xi32, #tpu.memory_space<hbm>> -> memref<512xi32, #tpu.memory_space<hbm>>
      %dma_wait3A_196 = tpu.memref_slice %arg3[%mul3A_2] : memref<16384xi32, #tpu.memory_space<hbm>> -> memref<512xi32, #tpu.memory_space<hbm>>
      tpu.wait_dma2 semaphore(%run_scoped3A : memref<!tpu.dma_semaphore, #tpu.memory_space<semaphore_mem>>) src(%dma_wait3A_196 : memref<512xi32, #tpu.memory_space<hbm>>) dst(%arg15 : memref<512xi32, #tpu.memory_space<vmem>>)
      tpu.yield
    }) : () -> ()
    "tpu.region"() ({
      %run_scoped3A = tpu.sem_alloc : memref<!tpu.dma_semaphore, #tpu.memory_space<semaphore_mem>>
      %dma_start3A_193 = tpu.memref_slice %arg4[%mul3A_2] : memref<16384xi32, #tpu.memory_space<hbm>> -> memref<512xi32, #tpu.memory_space<hbm>>
      %dma_start3A_194 = tpu.memref_slice %arg4[%mul3A_2] : memref<16384xi32, #tpu.memory_space<hbm>> -> memref<512xi32, #tpu.memory_space<hbm>>
      tpu.enqueue_dma source(%dma_start3A_194 : memref<512xi32, #tpu.memory_space<hbm>>) target(%arg16 : memref<512xi32, #tpu.memory_space<vmem>>) target_semaphore(%run_scoped3A : memref<!tpu.dma_semaphore, #tpu.memory_space<semaphore_mem>>)
      %dma_wait3A_195 = tpu.memref_slice %arg4[%mul3A_2] : memref<16384xi32, #tpu.memory_space<hbm>> -> memref<512xi32, #tpu.memory_space<hbm>>
      %dma_wait3A_196 = tpu.memref_slice %arg4[%mul3A_2] : memref<16384xi32, #tpu.memory_space<hbm>> -> memref<512xi32, #tpu.memory_space<hbm>>
      tpu.wait_dma2 semaphore(%run_scoped3A : memref<!tpu.dma_semaphore, #tpu.memory_space<semaphore_mem>>) src(%dma_wait3A_196 : memref<512xi32, #tpu.memory_space<hbm>>) dst(%arg16 : memref<512xi32, #tpu.memory_space<vmem>>)
      tpu.yield
    }) : () -> ()
    "tpu.region"() ({
      %run_scoped3A = tpu.sem_alloc : memref<!tpu.dma_semaphore, #tpu.memory_space<semaphore_mem>>
      %dma_start3A_193 = tpu.memref_slice %arg5[%mul3A_2] : memref<16384xi32, #tpu.memory_space<hbm>> -> memref<512xi32, #tpu.memory_space<hbm>>
      %dma_start3A_194 = tpu.memref_slice %arg5[%mul3A_2] : memref<16384xi32, #tpu.memory_space<hbm>> -> memref<512xi32, #tpu.memory_space<hbm>>
      tpu.enqueue_dma source(%dma_start3A_194 : memref<512xi32, #tpu.memory_space<hbm>>) target(%arg17 : memref<512xi32, #tpu.memory_space<vmem>>) target_semaphore(%run_scoped3A : memref<!tpu.dma_semaphore, #tpu.memory_space<semaphore_mem>>)
      %dma_wait3A_195 = tpu.memref_slice %arg5[%mul3A_2] : memref<16384xi32, #tpu.memory_space<hbm>> -> memref<512xi32, #tpu.memory_space<hbm>>
      %dma_wait3A_196 = tpu.memref_slice %arg5[%mul3A_2] : memref<16384xi32, #tpu.memory_space<hbm>> -> memref<512xi32, #tpu.memory_space<hbm>>
      tpu.wait_dma2 semaphore(%run_scoped3A : memref<!tpu.dma_semaphore, #tpu.memory_space<semaphore_mem>>) src(%dma_wait3A_196 : memref<512xi32, #tpu.memory_space<hbm>>) dst(%arg17 : memref<512xi32, #tpu.memory_space<vmem>>)
      tpu.yield
    }) : () -> ()
    %dma_start3A = arith.constant 0 : i32
    %dma_start3A_3 = tpu.memref_slice %arg14[%dma_start3A] : memref<512xi32, #tpu.memory_space<vmem>> -> memref<128xi32, #tpu.memory_space<vmem>>
    %dma_start3A_4 = arith.constant 0 : i32
    %dma_start3A_5 = arith.constant 0 : i32
    %dma_start3A_6 = tpu.memref_slice %arg6[%dma_start3A_4, %dma_start3A_5] : memref<25088x128xf32, #tpu.memory_space<hbm>> -> memref<25088x128xf32, #tpu.memory_space<hbm>>
    tpu.enqueue_indirect_dma source(%dma_start3A_6 : memref<25088x128xf32, #tpu.memory_space<hbm>>) target(%arg18 : memref<128x128xf32, #tpu.memory_space<vmem>>) offsets(%dma_start3A_3 : memref<128xi32, #tpu.memory_space<vmem>>) semaphore(%arg22 : memref<!tpu.dma_semaphore, #tpu.memory_space<semaphore_mem>>)
    %dma_start3A_7 = arith.constant 0 : i32
    %dma_start3A_8 = tpu.memref_slice %arg15[%dma_start3A_7] : memref<512xi32, #tpu.memory_space<vmem>> -> memref<128xi32, #tpu.memory_space<vmem>>
    %dma_start3A_9 = arith.constant 0 : i32
    %dma_start3A_10 = arith.constant 0 : i32
    %dma_start3A_11 = tpu.memref_slice %arg7[%dma_start3A_9, %dma_start3A_10] : memref<25088x128xf32, #tpu.memory_space<hbm>> -> memref<25088x128xf32, #tpu.memory_space<hbm>>
    tpu.enqueue_indirect_dma source(%dma_start3A_11 : memref<25088x128xf32, #tpu.memory_space<hbm>>) target(%arg19 : memref<128x128xf32, #tpu.memory_space<vmem>>) offsets(%dma_start3A_8 : memref<128xi32, #tpu.memory_space<vmem>>) semaphore(%arg22 : memref<!tpu.dma_semaphore, #tpu.memory_space<semaphore_mem>>)
    %dma_start3A_12 = arith.constant 0 : i32
    %dma_start3A_13 = tpu.memref_slice %arg16[%dma_start3A_12] : memref<512xi32, #tpu.memory_space<vmem>> -> memref<128xi32, #tpu.memory_space<vmem>>
    %dma_start3A_14 = arith.constant 0 : i32
    %dma_start3A_15 = arith.constant 0 : i32
    %dma_start3A_16 = tpu.memref_slice %arg8[%dma_start3A_14, %dma_start3A_15] : memref<25088x128xf32, #tpu.memory_space<hbm>> -> memref<25088x128xf32, #tpu.memory_space<hbm>>
    tpu.enqueue_indirect_dma source(%dma_start3A_16 : memref<25088x128xf32, #tpu.memory_space<hbm>>) target(%arg20 : memref<128x128xf32, #tpu.memory_space<vmem>>) offsets(%dma_start3A_13 : memref<128xi32, #tpu.memory_space<vmem>>) semaphore(%arg22 : memref<!tpu.dma_semaphore, #tpu.memory_space<semaphore_mem>>)
    %dma_start3A_17 = arith.constant 0 : i32
    %dma_start3A_18 = tpu.memref_slice %arg17[%dma_start3A_17] : memref<512xi32, #tpu.memory_space<vmem>> -> memref<128xi32, #tpu.memory_space<vmem>>
    %dma_start3A_19 = arith.constant 0 : i32
    %dma_start3A_20 = arith.constant 0 : i32
    %dma_start3A_21 = tpu.memref_slice %arg9[%dma_start3A_19, %dma_start3A_20] : memref<25088x128xf32, #tpu.memory_space<hbm>> -> memref<25088x128xf32, #tpu.memory_space<hbm>>
    tpu.enqueue_indirect_dma source(%dma_start3A_21 : memref<25088x128xf32, #tpu.memory_space<hbm>>) target(%arg21 : memref<128x128xf32, #tpu.memory_space<vmem>>) offsets(%dma_start3A_18 : memref<128xi32, #tpu.memory_space<vmem>>) semaphore(%arg22 : memref<!tpu.dma_semaphore, #tpu.memory_space<semaphore_mem>>)
    %dma_wait3A = arith.constant 0 : i32
    %dma_wait3A_22 = tpu.memref_slice %arg14[%dma_wait3A] : memref<512xi32, #tpu.memory_space<vmem>> -> memref<128xi32, #tpu.memory_space<vmem>>
    %dma_wait3A_23 = arith.constant 0 : i32
    %dma_wait3A_24 = arith.constant 0 : i32
    %dma_wait3A_25 = tpu.memref_slice %arg6[%dma_wait3A_23, %dma_wait3A_24] : memref<25088x128xf32, #tpu.memory_space<hbm>> -> memref<25088x128xf32, #tpu.memory_space<hbm>>
    tpu.wait_indirect_dma semaphore(%arg22 : memref<!tpu.dma_semaphore, #tpu.memory_space<semaphore_mem>>) src(%dma_wait3A_25 : memref<25088x128xf32, #tpu.memory_space<hbm>>) dst(%arg18 : memref<128x128xf32, #tpu.memory_space<vmem>>)
    %dma_wait3A_26 = arith.constant 0 : i32
    %dma_wait3A_27 = tpu.memref_slice %arg15[%dma_wait3A_26] : memref<512xi32, #tpu.memory_space<vmem>> -> memref<128xi32, #tpu.memory_space<vmem>>
    %dma_wait3A_28 = arith.constant 0 : i32
    %dma_wait3A_29 = arith.constant 0 : i32
    %dma_wait3A_30 = tpu.memref_slice %arg7[%dma_wait3A_28, %dma_wait3A_29] : memref<25088x128xf32, #tpu.memory_space<hbm>> -> memref<25088x128xf32, #tpu.memory_space<hbm>>
    tpu.wait_indirect_dma semaphore(%arg22 : memref<!tpu.dma_semaphore, #tpu.memory_space<semaphore_mem>>) src(%dma_wait3A_30 : memref<25088x128xf32, #tpu.memory_space<hbm>>) dst(%arg19 : memref<128x128xf32, #tpu.memory_space<vmem>>)
    %dma_wait3A_31 = arith.constant 0 : i32
    %dma_wait3A_32 = tpu.memref_slice %arg16[%dma_wait3A_31] : memref<512xi32, #tpu.memory_space<vmem>> -> memref<128xi32, #tpu.memory_space<vmem>>
    %dma_wait3A_33 = arith.constant 0 : i32
    %dma_wait3A_34 = arith.constant 0 : i32
    %dma_wait3A_35 = tpu.memref_slice %arg8[%dma_wait3A_33, %dma_wait3A_34] : memref<25088x128xf32, #tpu.memory_space<hbm>> -> memref<25088x128xf32, #tpu.memory_space<hbm>>
    tpu.wait_indirect_dma semaphore(%arg22 : memref<!tpu.dma_semaphore, #tpu.memory_space<semaphore_mem>>) src(%dma_wait3A_35 : memref<25088x128xf32, #tpu.memory_space<hbm>>) dst(%arg20 : memref<128x128xf32, #tpu.memory_space<vmem>>)
    %dma_wait3A_36 = arith.constant 0 : i32
    %dma_wait3A_37 = tpu.memref_slice %arg17[%dma_wait3A_36] : memref<512xi32, #tpu.memory_space<vmem>> -> memref<128xi32, #tpu.memory_space<vmem>>
    %dma_wait3A_38 = arith.constant 0 : i32
    %dma_wait3A_39 = arith.constant 0 : i32
    %dma_wait3A_40 = tpu.memref_slice %arg9[%dma_wait3A_38, %dma_wait3A_39] : memref<25088x128xf32, #tpu.memory_space<hbm>> -> memref<25088x128xf32, #tpu.memory_space<hbm>>
    tpu.wait_indirect_dma semaphore(%arg22 : memref<!tpu.dma_semaphore, #tpu.memory_space<semaphore_mem>>) src(%dma_wait3A_40 : memref<25088x128xf32, #tpu.memory_space<hbm>>) dst(%arg21 : memref<128x128xf32, #tpu.memory_space<vmem>>)
    %add3A_41 = arith.constant 0 : i32
    %add3A_42 = arith.addi %mul3A_2, %add3A_41 : i32
    "tpu.region"() ({
      %run_scoped3A = tpu.sem_alloc : memref<!tpu.dma_semaphore, #tpu.memory_space<semaphore_mem>>
      %dma_start3A_193 = arith.constant 0 : i32
      %dma_start3A_194 = tpu.memref_slice %arg10[%add3A_42, %dma_start3A_193] : memref<16384x128xf32, #tpu.memory_space<hbm>> -> memref<128x128xf32, #tpu.memory_space<hbm>>
      %dma_start3A_195 = arith.constant 0 : i32
      %dma_start3A_196 = tpu.memref_slice %arg10[%add3A_42, %dma_start3A_195] : memref<16384x128xf32, #tpu.memory_space<hbm>> -> memref<128x128xf32, #tpu.memory_space<hbm>>
      tpu.enqueue_dma source(%arg18 : memref<128x128xf32, #tpu.memory_space<vmem>>) target(%dma_start3A_196 : memref<128x128xf32, #tpu.memory_space<hbm>>) target_semaphore(%run_scoped3A : memref<!tpu.dma_semaphore, #tpu.memory_space<semaphore_mem>>)
      %dma_wait3A_197 = arith.constant 0 : i32
      %dma_wait3A_198 = tpu.memref_slice %arg10[%add3A_42, %dma_wait3A_197] : memref<16384x128xf32, #tpu.memory_space<hbm>> -> memref<128x128xf32, #tpu.memory_space<hbm>>
      %dma_wait3A_199 = arith.constant 0 : i32
      %dma_wait3A_200 = tpu.memref_slice %arg10[%add3A_42, %dma_wait3A_199] : memref<16384x128xf32, #tpu.memory_space<hbm>> -> memref<128x128xf32, #tpu.memory_space<hbm>>
      tpu.wait_dma2 semaphore(%run_scoped3A : memref<!tpu.dma_semaphore, #tpu.memory_space<semaphore_mem>>) src(%arg18 : memref<128x128xf32, #tpu.memory_space<vmem>>) dst(%dma_wait3A_200 : memref<128x128xf32, #tpu.memory_space<hbm>>)
      tpu.yield
    }) : () -> ()
    %add3A_43 = arith.constant 0 : i32
    %add3A_44 = arith.addi %mul3A_2, %add3A_43 : i32
    "tpu.region"() ({
      %run_scoped3A = tpu.sem_alloc : memref<!tpu.dma_semaphore, #tpu.memory_space<semaphore_mem>>
      %dma_start3A_193 = arith.constant 0 : i32
      %dma_start3A_194 = tpu.memref_slice %arg11[%add3A_44, %dma_start3A_193] : memref<16384x128xf32, #tpu.memory_space<hbm>> -> memref<128x128xf32, #tpu.memory_space<hbm>>
      %dma_start3A_195 = arith.constant 0 : i32
      %dma_start3A_196 = tpu.memref_slice %arg11[%add3A_44, %dma_start3A_195] : memref<16384x128xf32, #tpu.memory_space<hbm>> -> memref<128x128xf32, #tpu.memory_space<hbm>>
      tpu.enqueue_dma source(%arg19 : memref<128x128xf32, #tpu.memory_space<vmem>>) target(%dma_start3A_196 : memref<128x128xf32, #tpu.memory_space<hbm>>) target_semaphore(%run_scoped3A : memref<!tpu.dma_semaphore, #tpu.memory_space<semaphore_mem>>)
      %dma_wait3A_197 = arith.constant 0 : i32
      %dma_wait3A_198 = tpu.memref_slice %arg11[%add3A_44, %dma_wait3A_197] : memref<16384x128xf32, #tpu.memory_space<hbm>> -> memref<128x128xf32, #tpu.memory_space<hbm>>
      %dma_wait3A_199 = arith.constant 0 : i32
      %dma_wait3A_200 = tpu.memref_slice %arg11[%add3A_44, %dma_wait3A_199] : memref<16384x128xf32, #tpu.memory_space<hbm>> -> memref<128x128xf32, #tpu.memory_space<hbm>>
      tpu.wait_dma2 semaphore(%run_scoped3A : memref<!tpu.dma_semaphore, #tpu.memory_space<semaphore_mem>>) src(%arg19 : memref<128x128xf32, #tpu.memory_space<vmem>>) dst(%dma_wait3A_200 : memref<128x128xf32, #tpu.memory_space<hbm>>)
      tpu.yield
    }) : () -> ()
    %add3A_45 = arith.constant 0 : i32
    %add3A_46 = arith.addi %mul3A_2, %add3A_45 : i32
    "tpu.region"() ({
      %run_scoped3A = tpu.sem_alloc : memref<!tpu.dma_semaphore, #tpu.memory_space<semaphore_mem>>
      %dma_start3A_193 = arith.constant 0 : i32
      %dma_start3A_194 = tpu.memref_slice %arg12[%add3A_46, %dma_start3A_193] : memref<16384x128xf32, #tpu.memory_space<hbm>> -> memref<128x128xf32, #tpu.memory_space<hbm>>
      %dma_start3A_195 = arith.constant 0 : i32
      %dma_start3A_196 = tpu.memref_slice %arg12[%add3A_46, %dma_start3A_195] : memref<16384x128xf32, #tpu.memory_space<hbm>> -> memref<128x128xf32, #tpu.memory_space<hbm>>
      tpu.enqueue_dma source(%arg20 : memref<128x128xf32, #tpu.memory_space<vmem>>) target(%dma_start3A_196 : memref<128x128xf32, #tpu.memory_space<hbm>>) target_semaphore(%run_scoped3A : memref<!tpu.dma_semaphore, #tpu.memory_space<semaphore_mem>>)
      %dma_wait3A_197 = arith.constant 0 : i32
      %dma_wait3A_198 = tpu.memref_slice %arg12[%add3A_46, %dma_wait3A_197] : memref<16384x128xf32, #tpu.memory_space<hbm>> -> memref<128x128xf32, #tpu.memory_space<hbm>>
      %dma_wait3A_199 = arith.constant 0 : i32
      %dma_wait3A_200 = tpu.memref_slice %arg12[%add3A_46, %dma_wait3A_199] : memref<16384x128xf32, #tpu.memory_space<hbm>> -> memref<128x128xf32, #tpu.memory_space<hbm>>
      tpu.wait_dma2 semaphore(%run_scoped3A : memref<!tpu.dma_semaphore, #tpu.memory_space<semaphore_mem>>) src(%arg20 : memref<128x128xf32, #tpu.memory_space<vmem>>) dst(%dma_wait3A_200 : memref<128x128xf32, #tpu.memory_space<hbm>>)
      tpu.yield
    }) : () -> ()
    %add3A_47 = arith.constant 0 : i32
    %add3A_48 = arith.addi %mul3A_2, %add3A_47 : i32
    "tpu.region"() ({
      %run_scoped3A = tpu.sem_alloc : memref<!tpu.dma_semaphore, #tpu.memory_space<semaphore_mem>>
      %dma_start3A_193 = arith.constant 0 : i32
      %dma_start3A_194 = tpu.memref_slice %arg13[%add3A_48, %dma_start3A_193] : memref<16384x128xf32, #tpu.memory_space<hbm>> -> memref<128x128xf32, #tpu.memory_space<hbm>>
      %dma_start3A_195 = arith.constant 0 : i32
      %dma_start3A_196 = tpu.memref_slice %arg13[%add3A_48, %dma_start3A_195] : memref<16384x128xf32, #tpu.memory_space<hbm>> -> memref<128x128xf32, #tpu.memory_space<hbm>>
      tpu.enqueue_dma source(%arg21 : memref<128x128xf32, #tpu.memory_space<vmem>>) target(%dma_start3A_196 : memref<128x128xf32, #tpu.memory_space<hbm>>) target_semaphore(%run_scoped3A : memref<!tpu.dma_semaphore, #tpu.memory_space<semaphore_mem>>)
      %dma_wait3A_197 = arith.constant 0 : i32
      %dma_wait3A_198 = tpu.memref_slice %arg13[%add3A_48, %dma_wait3A_197] : memref<16384x128xf32, #tpu.memory_space<hbm>> -> memref<128x128xf32, #tpu.memory_space<hbm>>
      %dma_wait3A_199 = arith.constant 0 : i32
      %dma_wait3A_200 = tpu.memref_slice %arg13[%add3A_48, %dma_wait3A_199] : memref<16384x128xf32, #tpu.memory_space<hbm>> -> memref<128x128xf32, #tpu.memory_space<hbm>>
      tpu.wait_dma2 semaphore(%run_scoped3A : memref<!tpu.dma_semaphore, #tpu.memory_space<semaphore_mem>>) src(%arg21 : memref<128x128xf32, #tpu.memory_space<vmem>>) dst(%dma_wait3A_200 : memref<128x128xf32, #tpu.memory_space<hbm>>)
      tpu.yield
    }) : () -> ()
    %dma_start3A_49 = arith.constant 128 : i32
    %dma_start3A_50 = tpu.memref_slice %arg14[%dma_start3A_49] : memref<512xi32, #tpu.memory_space<vmem>> -> memref<128xi32, #tpu.memory_space<vmem>>
    %dma_start3A_51 = arith.constant 0 : i32
    %dma_start3A_52 = arith.constant 0 : i32
    %dma_start3A_53 = tpu.memref_slice %arg6[%dma_start3A_51, %dma_start3A_52] : memref<25088x128xf32, #tpu.memory_space<hbm>> -> memref<25088x128xf32, #tpu.memory_space<hbm>>
    tpu.enqueue_indirect_dma source(%dma_start3A_53 : memref<25088x128xf32, #tpu.memory_space<hbm>>) target(%arg18 : memref<128x128xf32, #tpu.memory_space<vmem>>) offsets(%dma_start3A_50 : memref<128xi32, #tpu.memory_space<vmem>>) semaphore(%arg22 : memref<!tpu.dma_semaphore, #tpu.memory_space<semaphore_mem>>)
    %dma_start3A_54 = arith.constant 128 : i32
    %dma_start3A_55 = tpu.memref_slice %arg15[%dma_start3A_54] : memref<512xi32, #tpu.memory_space<vmem>> -> memref<128xi32, #tpu.memory_space<vmem>>
    %dma_start3A_56 = arith.constant 0 : i32
    %dma_start3A_57 = arith.constant 0 : i32
    %dma_start3A_58 = tpu.memref_slice %arg7[%dma_start3A_56, %dma_start3A_57] : memref<25088x128xf32, #tpu.memory_space<hbm>> -> memref<25088x128xf32, #tpu.memory_space<hbm>>
    tpu.enqueue_indirect_dma source(%dma_start3A_58 : memref<25088x128xf32, #tpu.memory_space<hbm>>) target(%arg19 : memref<128x128xf32, #tpu.memory_space<vmem>>) offsets(%dma_start3A_55 : memref<128xi32, #tpu.memory_space<vmem>>) semaphore(%arg22 : memref<!tpu.dma_semaphore, #tpu.memory_space<semaphore_mem>>)
    %dma_start3A_59 = arith.constant 128 : i32
    %dma_start3A_60 = tpu.memref_slice %arg16[%dma_start3A_59] : memref<512xi32, #tpu.memory_space<vmem>> -> memref<128xi32, #tpu.memory_space<vmem>>
    %dma_start3A_61 = arith.constant 0 : i32
    %dma_start3A_62 = arith.constant 0 : i32
    %dma_start3A_63 = tpu.memref_slice %arg8[%dma_start3A_61, %dma_start3A_62] : memref<25088x128xf32, #tpu.memory_space<hbm>> -> memref<25088x128xf32, #tpu.memory_space<hbm>>
    tpu.enqueue_indirect_dma source(%dma_start3A_63 : memref<25088x128xf32, #tpu.memory_space<hbm>>) target(%arg20 : memref<128x128xf32, #tpu.memory_space<vmem>>) offsets(%dma_start3A_60 : memref<128xi32, #tpu.memory_space<vmem>>) semaphore(%arg22 : memref<!tpu.dma_semaphore, #tpu.memory_space<semaphore_mem>>)
    %dma_start3A_64 = arith.constant 128 : i32
    %dma_start3A_65 = tpu.memref_slice %arg17[%dma_start3A_64] : memref<512xi32, #tpu.memory_space<vmem>> -> memref<128xi32, #tpu.memory_space<vmem>>
    %dma_start3A_66 = arith.constant 0 : i32
    %dma_start3A_67 = arith.constant 0 : i32
    %dma_start3A_68 = tpu.memref_slice %arg9[%dma_start3A_66, %dma_start3A_67] : memref<25088x128xf32, #tpu.memory_space<hbm>> -> memref<25088x128xf32, #tpu.memory_space<hbm>>
    tpu.enqueue_indirect_dma source(%dma_start3A_68 : memref<25088x128xf32, #tpu.memory_space<hbm>>) target(%arg21 : memref<128x128xf32, #tpu.memory_space<vmem>>) offsets(%dma_start3A_65 : memref<128xi32, #tpu.memory_space<vmem>>) semaphore(%arg22 : memref<!tpu.dma_semaphore, #tpu.memory_space<semaphore_mem>>)
    %dma_wait3A_69 = arith.constant 128 : i32
    %dma_wait3A_70 = tpu.memref_slice %arg14[%dma_wait3A_69] : memref<512xi32, #tpu.memory_space<vmem>> -> memref<128xi32, #tpu.memory_space<vmem>>
    %dma_wait3A_71 = arith.constant 0 : i32
    %dma_wait3A_72 = arith.constant 0 : i32
    %dma_wait3A_73 = tpu.memref_slice %arg6[%dma_wait3A_71, %dma_wait3A_72] : memref<25088x128xf32, #tpu.memory_space<hbm>> -> memref<25088x128xf32, #tpu.memory_space<hbm>>
    tpu.wait_indirect_dma semaphore(%arg22 : memref<!tpu.dma_semaphore, #tpu.memory_space<semaphore_mem>>) src(%dma_wait3A_73 : memref<25088x128xf32, #tpu.memory_space<hbm>>) dst(%arg18 : memref<128x128xf32, #tpu.memory_space<vmem>>)
    %dma_wait3A_74 = arith.constant 128 : i32
    %dma_wait3A_75 = tpu.memref_slice %arg15[%dma_wait3A_74] : memref<512xi32, #tpu.memory_space<vmem>> -> memref<128xi32, #tpu.memory_space<vmem>>
    %dma_wait3A_76 = arith.constant 0 : i32
    %dma_wait3A_77 = arith.constant 0 : i32
    %dma_wait3A_78 = tpu.memref_slice %arg7[%dma_wait3A_76, %dma_wait3A_77] : memref<25088x128xf32, #tpu.memory_space<hbm>> -> memref<25088x128xf32, #tpu.memory_space<hbm>>
    tpu.wait_indirect_dma semaphore(%arg22 : memref<!tpu.dma_semaphore, #tpu.memory_space<semaphore_mem>>) src(%dma_wait3A_78 : memref<25088x128xf32, #tpu.memory_space<hbm>>) dst(%arg19 : memref<128x128xf32, #tpu.memory_space<vmem>>)
    %dma_wait3A_79 = arith.constant 128 : i32
    %dma_wait3A_80 = tpu.memref_slice %arg16[%dma_wait3A_79] : memref<512xi32, #tpu.memory_space<vmem>> -> memref<128xi32, #tpu.memory_space<vmem>>
    %dma_wait3A_81 = arith.constant 0 : i32
    %dma_wait3A_82 = arith.constant 0 : i32
    %dma_wait3A_83 = tpu.memref_slice %arg8[%dma_wait3A_81, %dma_wait3A_82] : memref<25088x128xf32, #tpu.memory_space<hbm>> -> memref<25088x128xf32, #tpu.memory_space<hbm>>
    tpu.wait_indirect_dma semaphore(%arg22 : memref<!tpu.dma_semaphore, #tpu.memory_space<semaphore_mem>>) src(%dma_wait3A_83 : memref<25088x128xf32, #tpu.memory_space<hbm>>) dst(%arg20 : memref<128x128xf32, #tpu.memory_space<vmem>>)
    %dma_wait3A_84 = arith.constant 128 : i32
    %dma_wait3A_85 = tpu.memref_slice %arg17[%dma_wait3A_84] : memref<512xi32, #tpu.memory_space<vmem>> -> memref<128xi32, #tpu.memory_space<vmem>>
    %dma_wait3A_86 = arith.constant 0 : i32
    %dma_wait3A_87 = arith.constant 0 : i32
    %dma_wait3A_88 = tpu.memref_slice %arg9[%dma_wait3A_86, %dma_wait3A_87] : memref<25088x128xf32, #tpu.memory_space<hbm>> -> memref<25088x128xf32, #tpu.memory_space<hbm>>
    tpu.wait_indirect_dma semaphore(%arg22 : memref<!tpu.dma_semaphore, #tpu.memory_space<semaphore_mem>>) src(%dma_wait3A_88 : memref<25088x128xf32, #tpu.memory_space<hbm>>) dst(%arg21 : memref<128x128xf32, #tpu.memory_space<vmem>>)
    %add3A_89 = arith.constant 128 : i32
    %add3A_90 = arith.addi %mul3A_2, %add3A_89 : i32
    "tpu.region"() ({
      %run_scoped3A = tpu.sem_alloc : memref<!tpu.dma_semaphore, #tpu.memory_space<semaphore_mem>>
      %dma_start3A_193 = arith.constant 0 : i32
      %dma_start3A_194 = tpu.memref_slice %arg10[%add3A_90, %dma_start3A_193] : memref<16384x128xf32, #tpu.memory_space<hbm>> -> memref<128x128xf32, #tpu.memory_space<hbm>>
      %dma_start3A_195 = arith.constant 0 : i32
      %dma_start3A_196 = tpu.memref_slice %arg10[%add3A_90, %dma_start3A_195] : memref<16384x128xf32, #tpu.memory_space<hbm>> -> memref<128x128xf32, #tpu.memory_space<hbm>>
      tpu.enqueue_dma source(%arg18 : memref<128x128xf32, #tpu.memory_space<vmem>>) target(%dma_start3A_196 : memref<128x128xf32, #tpu.memory_space<hbm>>) target_semaphore(%run_scoped3A : memref<!tpu.dma_semaphore, #tpu.memory_space<semaphore_mem>>)
      %dma_wait3A_197 = arith.constant 0 : i32
      %dma_wait3A_198 = tpu.memref_slice %arg10[%add3A_90, %dma_wait3A_197] : memref<16384x128xf32, #tpu.memory_space<hbm>> -> memref<128x128xf32, #tpu.memory_space<hbm>>
      %dma_wait3A_199 = arith.constant 0 : i32
      %dma_wait3A_200 = tpu.memref_slice %arg10[%add3A_90, %dma_wait3A_199] : memref<16384x128xf32, #tpu.memory_space<hbm>> -> memref<128x128xf32, #tpu.memory_space<hbm>>
      tpu.wait_dma2 semaphore(%run_scoped3A : memref<!tpu.dma_semaphore, #tpu.memory_space<semaphore_mem>>) src(%arg18 : memref<128x128xf32, #tpu.memory_space<vmem>>) dst(%dma_wait3A_200 : memref<128x128xf32, #tpu.memory_space<hbm>>)
      tpu.yield
    }) : () -> ()
    %add3A_91 = arith.constant 128 : i32
    %add3A_92 = arith.addi %mul3A_2, %add3A_91 : i32
    "tpu.region"() ({
      %run_scoped3A = tpu.sem_alloc : memref<!tpu.dma_semaphore, #tpu.memory_space<semaphore_mem>>
      %dma_start3A_193 = arith.constant 0 : i32
      %dma_start3A_194 = tpu.memref_slice %arg11[%add3A_92, %dma_start3A_193] : memref<16384x128xf32, #tpu.memory_space<hbm>> -> memref<128x128xf32, #tpu.memory_space<hbm>>
      %dma_start3A_195 = arith.constant 0 : i32
      %dma_start3A_196 = tpu.memref_slice %arg11[%add3A_92, %dma_start3A_195] : memref<16384x128xf32, #tpu.memory_space<hbm>> -> memref<128x128xf32, #tpu.memory_space<hbm>>
      tpu.enqueue_dma source(%arg19 : memref<128x128xf32, #tpu.memory_space<vmem>>) target(%dma_start3A_196 : memref<128x128xf32, #tpu.memory_space<hbm>>) target_semaphore(%run_scoped3A : memref<!tpu.dma_semaphore, #tpu.memory_space<semaphore_mem>>)
      %dma_wait3A_197 = arith.constant 0 : i32
      %dma_wait3A_198 = tpu.memref_slice %arg11[%add3A_92, %dma_wait3A_197] : memref<16384x128xf32, #tpu.memory_space<hbm>> -> memref<128x128xf32, #tpu.memory_space<hbm>>
      %dma_wait3A_199 = arith.constant 0 : i32
      %dma_wait3A_200 = tpu.memref_slice %arg11[%add3A_92, %dma_wait3A_199] : memref<16384x128xf32, #tpu.memory_space<hbm>> -> memref<128x128xf32, #tpu.memory_space<hbm>>
      tpu.wait_dma2 semaphore(%run_scoped3A : memref<!tpu.dma_semaphore, #tpu.memory_space<semaphore_mem>>) src(%arg19 : memref<128x128xf32, #tpu.memory_space<vmem>>) dst(%dma_wait3A_200 : memref<128x128xf32, #tpu.memory_space<hbm>>)
      tpu.yield
    }) : () -> ()
    %add3A_93 = arith.constant 128 : i32
    %add3A_94 = arith.addi %mul3A_2, %add3A_93 : i32
    "tpu.region"() ({
      %run_scoped3A = tpu.sem_alloc : memref<!tpu.dma_semaphore, #tpu.memory_space<semaphore_mem>>
      %dma_start3A_193 = arith.constant 0 : i32
      %dma_start3A_194 = tpu.memref_slice %arg12[%add3A_94, %dma_start3A_193] : memref<16384x128xf32, #tpu.memory_space<hbm>> -> memref<128x128xf32, #tpu.memory_space<hbm>>
      %dma_start3A_195 = arith.constant 0 : i32
      %dma_start3A_196 = tpu.memref_slice %arg12[%add3A_94, %dma_start3A_195] : memref<16384x128xf32, #tpu.memory_space<hbm>> -> memref<128x128xf32, #tpu.memory_space<hbm>>
      tpu.enqueue_dma source(%arg20 : memref<128x128xf32, #tpu.memory_space<vmem>>) target(%dma_start3A_196 : memref<128x128xf32, #tpu.memory_space<hbm>>) target_semaphore(%run_scoped3A : memref<!tpu.dma_semaphore, #tpu.memory_space<semaphore_mem>>)
      %dma_wait3A_197 = arith.constant 0 : i32
      %dma_wait3A_198 = tpu.memref_slice %arg12[%add3A_94, %dma_wait3A_197] : memref<16384x128xf32, #tpu.memory_space<hbm>> -> memref<128x128xf32, #tpu.memory_space<hbm>>
      %dma_wait3A_199 = arith.constant 0 : i32
      %dma_wait3A_200 = tpu.memref_slice %arg12[%add3A_94, %dma_wait3A_199] : memref<16384x128xf32, #tpu.memory_space<hbm>> -> memref<128x128xf32, #tpu.memory_space<hbm>>
      tpu.wait_dma2 semaphore(%run_scoped3A : memref<!tpu.dma_semaphore, #tpu.memory_space<semaphore_mem>>) src(%arg20 : memref<128x128xf32, #tpu.memory_space<vmem>>) dst(%dma_wait3A_200 : memref<128x128xf32, #tpu.memory_space<hbm>>)
      tpu.yield
    }) : () -> ()
    %add3A_95 = arith.constant 128 : i32
    %add3A_96 = arith.addi %mul3A_2, %add3A_95 : i32
    "tpu.region"() ({
      %run_scoped3A = tpu.sem_alloc : memref<!tpu.dma_semaphore, #tpu.memory_space<semaphore_mem>>
      %dma_start3A_193 = arith.constant 0 : i32
      %dma_start3A_194 = tpu.memref_slice %arg13[%add3A_96, %dma_start3A_193] : memref<16384x128xf32, #tpu.memory_space<hbm>> -> memref<128x128xf32, #tpu.memory_space<hbm>>
      %dma_start3A_195 = arith.constant 0 : i32
      %dma_start3A_196 = tpu.memref_slice %arg13[%add3A_96, %dma_start3A_195] : memref<16384x128xf32, #tpu.memory_space<hbm>> -> memref<128x128xf32, #tpu.memory_space<hbm>>
      tpu.enqueue_dma source(%arg21 : memref<128x128xf32, #tpu.memory_space<vmem>>) target(%dma_start3A_196 : memref<128x128xf32, #tpu.memory_space<hbm>>) target_semaphore(%run_scoped3A : memref<!tpu.dma_semaphore, #tpu.memory_space<semaphore_mem>>)
      %dma_wait3A_197 = arith.constant 0 : i32
      %dma_wait3A_198 = tpu.memref_slice %arg13[%add3A_96, %dma_wait3A_197] : memref<16384x128xf32, #tpu.memory_space<hbm>> -> memref<128x128xf32, #tpu.memory_space<hbm>>
      %dma_wait3A_199 = arith.constant 0 : i32
      %dma_wait3A_200 = tpu.memref_slice %arg13[%add3A_96, %dma_wait3A_199] : memref<16384x128xf32, #tpu.memory_space<hbm>> -> memref<128x128xf32, #tpu.memory_space<hbm>>
      tpu.wait_dma2 semaphore(%run_scoped3A : memref<!tpu.dma_semaphore, #tpu.memory_space<semaphore_mem>>) src(%arg21 : memref<128x128xf32, #tpu.memory_space<vmem>>) dst(%dma_wait3A_200 : memref<128x128xf32, #tpu.memory_space<hbm>>)
      tpu.yield
    }) : () -> ()
    %dma_start3A_97 = arith.constant 256 : i32
    %dma_start3A_98 = tpu.memref_slice %arg14[%dma_start3A_97] : memref<512xi32, #tpu.memory_space<vmem>> -> memref<128xi32, #tpu.memory_space<vmem>>
    %dma_start3A_99 = arith.constant 0 : i32
    %dma_start3A_100 = arith.constant 0 : i32
    %dma_start3A_101 = tpu.memref_slice %arg6[%dma_start3A_99, %dma_start3A_100] : memref<25088x128xf32, #tpu.memory_space<hbm>> -> memref<25088x128xf32, #tpu.memory_space<hbm>>
    tpu.enqueue_indirect_dma source(%dma_start3A_101 : memref<25088x128xf32, #tpu.memory_space<hbm>>) target(%arg18 : memref<128x128xf32, #tpu.memory_space<vmem>>) offsets(%dma_start3A_98 : memref<128xi32, #tpu.memory_space<vmem>>) semaphore(%arg22 : memref<!tpu.dma_semaphore, #tpu.memory_space<semaphore_mem>>)
    %dma_start3A_102 = arith.constant 256 : i32
    %dma_start3A_103 = tpu.memref_slice %arg15[%dma_start3A_102] : memref<512xi32, #tpu.memory_space<vmem>> -> memref<128xi32, #tpu.memory_space<vmem>>
    %dma_start3A_104 = arith.constant 0 : i32
    %dma_start3A_105 = arith.constant 0 : i32
    %dma_start3A_106 = tpu.memref_slice %arg7[%dma_start3A_104, %dma_start3A_105] : memref<25088x128xf32, #tpu.memory_space<hbm>> -> memref<25088x128xf32, #tpu.memory_space<hbm>>
    tpu.enqueue_indirect_dma source(%dma_start3A_106 : memref<25088x128xf32, #tpu.memory_space<hbm>>) target(%arg19 : memref<128x128xf32, #tpu.memory_space<vmem>>) offsets(%dma_start3A_103 : memref<128xi32, #tpu.memory_space<vmem>>) semaphore(%arg22 : memref<!tpu.dma_semaphore, #tpu.memory_space<semaphore_mem>>)
    %dma_start3A_107 = arith.constant 256 : i32
    %dma_start3A_108 = tpu.memref_slice %arg16[%dma_start3A_107] : memref<512xi32, #tpu.memory_space<vmem>> -> memref<128xi32, #tpu.memory_space<vmem>>
    %dma_start3A_109 = arith.constant 0 : i32
    %dma_start3A_110 = arith.constant 0 : i32
    %dma_start3A_111 = tpu.memref_slice %arg8[%dma_start3A_109, %dma_start3A_110] : memref<25088x128xf32, #tpu.memory_space<hbm>> -> memref<25088x128xf32, #tpu.memory_space<hbm>>
    tpu.enqueue_indirect_dma source(%dma_start3A_111 : memref<25088x128xf32, #tpu.memory_space<hbm>>) target(%arg20 : memref<128x128xf32, #tpu.memory_space<vmem>>) offsets(%dma_start3A_108 : memref<128xi32, #tpu.memory_space<vmem>>) semaphore(%arg22 : memref<!tpu.dma_semaphore, #tpu.memory_space<semaphore_mem>>)
    %dma_start3A_112 = arith.constant 256 : i32
    %dma_start3A_113 = tpu.memref_slice %arg17[%dma_start3A_112] : memref<512xi32, #tpu.memory_space<vmem>> -> memref<128xi32, #tpu.memory_space<vmem>>
    %dma_start3A_114 = arith.constant 0 : i32
    %dma_start3A_115 = arith.constant 0 : i32
    %dma_start3A_116 = tpu.memref_slice %arg9[%dma_start3A_114, %dma_start3A_115] : memref<25088x128xf32, #tpu.memory_space<hbm>> -> memref<25088x128xf32, #tpu.memory_space<hbm>>
    tpu.enqueue_indirect_dma source(%dma_start3A_116 : memref<25088x128xf32, #tpu.memory_space<hbm>>) target(%arg21 : memref<128x128xf32, #tpu.memory_space<vmem>>) offsets(%dma_start3A_113 : memref<128xi32, #tpu.memory_space<vmem>>) semaphore(%arg22 : memref<!tpu.dma_semaphore, #tpu.memory_space<semaphore_mem>>)
    %dma_wait3A_117 = arith.constant 256 : i32
    %dma_wait3A_118 = tpu.memref_slice %arg14[%dma_wait3A_117] : memref<512xi32, #tpu.memory_space<vmem>> -> memref<128xi32, #tpu.memory_space<vmem>>
    %dma_wait3A_119 = arith.constant 0 : i32
    %dma_wait3A_120 = arith.constant 0 : i32
    %dma_wait3A_121 = tpu.memref_slice %arg6[%dma_wait3A_119, %dma_wait3A_120] : memref<25088x128xf32, #tpu.memory_space<hbm>> -> memref<25088x128xf32, #tpu.memory_space<hbm>>
    tpu.wait_indirect_dma semaphore(%arg22 : memref<!tpu.dma_semaphore, #tpu.memory_space<semaphore_mem>>) src(%dma_wait3A_121 : memref<25088x128xf32, #tpu.memory_space<hbm>>) dst(%arg18 : memref<128x128xf32, #tpu.memory_space<vmem>>)
    %dma_wait3A_122 = arith.constant 256 : i32
    %dma_wait3A_123 = tpu.memref_slice %arg15[%dma_wait3A_122] : memref<512xi32, #tpu.memory_space<vmem>> -> memref<128xi32, #tpu.memory_space<vmem>>
    %dma_wait3A_124 = arith.constant 0 : i32
    %dma_wait3A_125 = arith.constant 0 : i32
    %dma_wait3A_126 = tpu.memref_slice %arg7[%dma_wait3A_124, %dma_wait3A_125] : memref<25088x128xf32, #tpu.memory_space<hbm>> -> memref<25088x128xf32, #tpu.memory_space<hbm>>
    tpu.wait_indirect_dma semaphore(%arg22 : memref<!tpu.dma_semaphore, #tpu.memory_space<semaphore_mem>>) src(%dma_wait3A_126 : memref<25088x128xf32, #tpu.memory_space<hbm>>) dst(%arg19 : memref<128x128xf32, #tpu.memory_space<vmem>>)
    %dma_wait3A_127 = arith.constant 256 : i32
    %dma_wait3A_128 = tpu.memref_slice %arg16[%dma_wait3A_127] : memref<512xi32, #tpu.memory_space<vmem>> -> memref<128xi32, #tpu.memory_space<vmem>>
    %dma_wait3A_129 = arith.constant 0 : i32
    %dma_wait3A_130 = arith.constant 0 : i32
    %dma_wait3A_131 = tpu.memref_slice %arg8[%dma_wait3A_129, %dma_wait3A_130] : memref<25088x128xf32, #tpu.memory_space<hbm>> -> memref<25088x128xf32, #tpu.memory_space<hbm>>
    tpu.wait_indirect_dma semaphore(%arg22 : memref<!tpu.dma_semaphore, #tpu.memory_space<semaphore_mem>>) src(%dma_wait3A_131 : memref<25088x128xf32, #tpu.memory_space<hbm>>) dst(%arg20 : memref<128x128xf32, #tpu.memory_space<vmem>>)
    %dma_wait3A_132 = arith.constant 256 : i32
    %dma_wait3A_133 = tpu.memref_slice %arg17[%dma_wait3A_132] : memref<512xi32, #tpu.memory_space<vmem>> -> memref<128xi32, #tpu.memory_space<vmem>>
    %dma_wait3A_134 = arith.constant 0 : i32
    %dma_wait3A_135 = arith.constant 0 : i32
    %dma_wait3A_136 = tpu.memref_slice %arg9[%dma_wait3A_134, %dma_wait3A_135] : memref<25088x128xf32, #tpu.memory_space<hbm>> -> memref<25088x128xf32, #tpu.memory_space<hbm>>
    tpu.wait_indirect_dma semaphore(%arg22 : memref<!tpu.dma_semaphore, #tpu.memory_space<semaphore_mem>>) src(%dma_wait3A_136 : memref<25088x128xf32, #tpu.memory_space<hbm>>) dst(%arg21 : memref<128x128xf32, #tpu.memory_space<vmem>>)
    %add3A_137 = arith.constant 256 : i32
    %add3A_138 = arith.addi %mul3A_2, %add3A_137 : i32
    "tpu.region"() ({
      %run_scoped3A = tpu.sem_alloc : memref<!tpu.dma_semaphore, #tpu.memory_space<semaphore_mem>>
      %dma_start3A_193 = arith.constant 0 : i32
      %dma_start3A_194 = tpu.memref_slice %arg10[%add3A_138, %dma_start3A_193] : memref<16384x128xf32, #tpu.memory_space<hbm>> -> memref<128x128xf32, #tpu.memory_space<hbm>>
      %dma_start3A_195 = arith.constant 0 : i32
      %dma_start3A_196 = tpu.memref_slice %arg10[%add3A_138, %dma_start3A_195] : memref<16384x128xf32, #tpu.memory_space<hbm>> -> memref<128x128xf32, #tpu.memory_space<hbm>>
      tpu.enqueue_dma source(%arg18 : memref<128x128xf32, #tpu.memory_space<vmem>>) target(%dma_start3A_196 : memref<128x128xf32, #tpu.memory_space<hbm>>) target_semaphore(%run_scoped3A : memref<!tpu.dma_semaphore, #tpu.memory_space<semaphore_mem>>)
      %dma_wait3A_197 = arith.constant 0 : i32
      %dma_wait3A_198 = tpu.memref_slice %arg10[%add3A_138, %dma_wait3A_197] : memref<16384x128xf32, #tpu.memory_space<hbm>> -> memref<128x128xf32, #tpu.memory_space<hbm>>
      %dma_wait3A_199 = arith.constant 0 : i32
      %dma_wait3A_200 = tpu.memref_slice %arg10[%add3A_138, %dma_wait3A_199] : memref<16384x128xf32, #tpu.memory_space<hbm>> -> memref<128x128xf32, #tpu.memory_space<hbm>>
      tpu.wait_dma2 semaphore(%run_scoped3A : memref<!tpu.dma_semaphore, #tpu.memory_space<semaphore_mem>>) src(%arg18 : memref<128x128xf32, #tpu.memory_space<vmem>>) dst(%dma_wait3A_200 : memref<128x128xf32, #tpu.memory_space<hbm>>)
      tpu.yield
    }) : () -> ()
    %add3A_139 = arith.constant 256 : i32
    %add3A_140 = arith.addi %mul3A_2, %add3A_139 : i32
    "tpu.region"() ({
      %run_scoped3A = tpu.sem_alloc : memref<!tpu.dma_semaphore, #tpu.memory_space<semaphore_mem>>
      %dma_start3A_193 = arith.constant 0 : i32
      %dma_start3A_194 = tpu.memref_slice %arg11[%add3A_140, %dma_start3A_193] : memref<16384x128xf32, #tpu.memory_space<hbm>> -> memref<128x128xf32, #tpu.memory_space<hbm>>
      %dma_start3A_195 = arith.constant 0 : i32
      %dma_start3A_196 = tpu.memref_slice %arg11[%add3A_140, %dma_start3A_195] : memref<16384x128xf32, #tpu.memory_space<hbm>> -> memref<128x128xf32, #tpu.memory_space<hbm>>
      tpu.enqueue_dma source(%arg19 : memref<128x128xf32, #tpu.memory_space<vmem>>) target(%dma_start3A_196 : memref<128x128xf32, #tpu.memory_space<hbm>>) target_semaphore(%run_scoped3A : memref<!tpu.dma_semaphore, #tpu.memory_space<semaphore_mem>>)
      %dma_wait3A_197 = arith.constant 0 : i32
      %dma_wait3A_198 = tpu.memref_slice %arg11[%add3A_140, %dma_wait3A_197] : memref<16384x128xf32, #tpu.memory_space<hbm>> -> memref<128x128xf32, #tpu.memory_space<hbm>>
      %dma_wait3A_199 = arith.constant 0 : i32
      %dma_wait3A_200 = tpu.memref_slice %arg11[%add3A_140, %dma_wait3A_199] : memref<16384x128xf32, #tpu.memory_space<hbm>> -> memref<128x128xf32, #tpu.memory_space<hbm>>
      tpu.wait_dma2 semaphore(%run_scoped3A : memref<!tpu.dma_semaphore, #tpu.memory_space<semaphore_mem>>) src(%arg19 : memref<128x128xf32, #tpu.memory_space<vmem>>) dst(%dma_wait3A_200 : memref<128x128xf32, #tpu.memory_space<hbm>>)
      tpu.yield
    }) : () -> ()
    %add3A_141 = arith.constant 256 : i32
    %add3A_142 = arith.addi %mul3A_2, %add3A_141 : i32
    "tpu.region"() ({
      %run_scoped3A = tpu.sem_alloc : memref<!tpu.dma_semaphore, #tpu.memory_space<semaphore_mem>>
      %dma_start3A_193 = arith.constant 0 : i32
      %dma_start3A_194 = tpu.memref_slice %arg12[%add3A_142, %dma_start3A_193] : memref<16384x128xf32, #tpu.memory_space<hbm>> -> memref<128x128xf32, #tpu.memory_space<hbm>>
      %dma_start3A_195 = arith.constant 0 : i32
      %dma_start3A_196 = tpu.memref_slice %arg12[%add3A_142, %dma_start3A_195] : memref<16384x128xf32, #tpu.memory_space<hbm>> -> memref<128x128xf32, #tpu.memory_space<hbm>>
      tpu.enqueue_dma source(%arg20 : memref<128x128xf32, #tpu.memory_space<vmem>>) target(%dma_start3A_196 : memref<128x128xf32, #tpu.memory_space<hbm>>) target_semaphore(%run_scoped3A : memref<!tpu.dma_semaphore, #tpu.memory_space<semaphore_mem>>)
      %dma_wait3A_197 = arith.constant 0 : i32
      %dma_wait3A_198 = tpu.memref_slice %arg12[%add3A_142, %dma_wait3A_197] : memref<16384x128xf32, #tpu.memory_space<hbm>> -> memref<128x128xf32, #tpu.memory_space<hbm>>
      %dma_wait3A_199 = arith.constant 0 : i32
      %dma_wait3A_200 = tpu.memref_slice %arg12[%add3A_142, %dma_wait3A_199] : memref<16384x128xf32, #tpu.memory_space<hbm>> -> memref<128x128xf32, #tpu.memory_space<hbm>>
      tpu.wait_dma2 semaphore(%run_scoped3A : memref<!tpu.dma_semaphore, #tpu.memory_space<semaphore_mem>>) src(%arg20 : memref<128x128xf32, #tpu.memory_space<vmem>>) dst(%dma_wait3A_200 : memref<128x128xf32, #tpu.memory_space<hbm>>)
      tpu.yield
    }) : () -> ()
    %add3A_143 = arith.constant 256 : i32
    %add3A_144 = arith.addi %mul3A_2, %add3A_143 : i32
    "tpu.region"() ({
      %run_scoped3A = tpu.sem_alloc : memref<!tpu.dma_semaphore, #tpu.memory_space<semaphore_mem>>
      %dma_start3A_193 = arith.constant 0 : i32
      %dma_start3A_194 = tpu.memref_slice %arg13[%add3A_144, %dma_start3A_193] : memref<16384x128xf32, #tpu.memory_space<hbm>> -> memref<128x128xf32, #tpu.memory_space<hbm>>
      %dma_start3A_195 = arith.constant 0 : i32
      %dma_start3A_196 = tpu.memref_slice %arg13[%add3A_144, %dma_start3A_195] : memref<16384x128xf32, #tpu.memory_space<hbm>> -> memref<128x128xf32, #tpu.memory_space<hbm>>
      tpu.enqueue_dma source(%arg21 : memref<128x128xf32, #tpu.memory_space<vmem>>) target(%dma_start3A_196 : memref<128x128xf32, #tpu.memory_space<hbm>>) target_semaphore(%run_scoped3A : memref<!tpu.dma_semaphore, #tpu.memory_space<semaphore_mem>>)
      %dma_wait3A_197 = arith.constant 0 : i32
      %dma_wait3A_198 = tpu.memref_slice %arg13[%add3A_144, %dma_wait3A_197] : memref<16384x128xf32, #tpu.memory_space<hbm>> -> memref<128x128xf32, #tpu.memory_space<hbm>>
      %dma_wait3A_199 = arith.constant 0 : i32
      %dma_wait3A_200 = tpu.memref_slice %arg13[%add3A_144, %dma_wait3A_199] : memref<16384x128xf32, #tpu.memory_space<hbm>> -> memref<128x128xf32, #tpu.memory_space<hbm>>
      tpu.wait_dma2 semaphore(%run_scoped3A : memref<!tpu.dma_semaphore, #tpu.memory_space<semaphore_mem>>) src(%arg21 : memref<128x128xf32, #tpu.memory_space<vmem>>) dst(%dma_wait3A_200 : memref<128x128xf32, #tpu.memory_space<hbm>>)
      tpu.yield
    }) : () -> ()
    %dma_start3A_145 = arith.constant 384 : i32
    %dma_start3A_146 = tpu.memref_slice %arg14[%dma_start3A_145] : memref<512xi32, #tpu.memory_space<vmem>> -> memref<128xi32, #tpu.memory_space<vmem>>
    %dma_start3A_147 = arith.constant 0 : i32
    %dma_start3A_148 = arith.constant 0 : i32
    %dma_start3A_149 = tpu.memref_slice %arg6[%dma_start3A_147, %dma_start3A_148] : memref<25088x128xf32, #tpu.memory_space<hbm>> -> memref<25088x128xf32, #tpu.memory_space<hbm>>
    tpu.enqueue_indirect_dma source(%dma_start3A_149 : memref<25088x128xf32, #tpu.memory_space<hbm>>) target(%arg18 : memref<128x128xf32, #tpu.memory_space<vmem>>) offsets(%dma_start3A_146 : memref<128xi32, #tpu.memory_space<vmem>>) semaphore(%arg22 : memref<!tpu.dma_semaphore, #tpu.memory_space<semaphore_mem>>)
    %dma_start3A_150 = arith.constant 384 : i32
    %dma_start3A_151 = tpu.memref_slice %arg15[%dma_start3A_150] : memref<512xi32, #tpu.memory_space<vmem>> -> memref<128xi32, #tpu.memory_space<vmem>>
    %dma_start3A_152 = arith.constant 0 : i32
    %dma_start3A_153 = arith.constant 0 : i32
    %dma_start3A_154 = tpu.memref_slice %arg7[%dma_start3A_152, %dma_start3A_153] : memref<25088x128xf32, #tpu.memory_space<hbm>> -> memref<25088x128xf32, #tpu.memory_space<hbm>>
    tpu.enqueue_indirect_dma source(%dma_start3A_154 : memref<25088x128xf32, #tpu.memory_space<hbm>>) target(%arg19 : memref<128x128xf32, #tpu.memory_space<vmem>>) offsets(%dma_start3A_151 : memref<128xi32, #tpu.memory_space<vmem>>) semaphore(%arg22 : memref<!tpu.dma_semaphore, #tpu.memory_space<semaphore_mem>>)
    %dma_start3A_155 = arith.constant 384 : i32
    %dma_start3A_156 = tpu.memref_slice %arg16[%dma_start3A_155] : memref<512xi32, #tpu.memory_space<vmem>> -> memref<128xi32, #tpu.memory_space<vmem>>
    %dma_start3A_157 = arith.constant 0 : i32
    %dma_start3A_158 = arith.constant 0 : i32
    %dma_start3A_159 = tpu.memref_slice %arg8[%dma_start3A_157, %dma_start3A_158] : memref<25088x128xf32, #tpu.memory_space<hbm>> -> memref<25088x128xf32, #tpu.memory_space<hbm>>
    tpu.enqueue_indirect_dma source(%dma_start3A_159 : memref<25088x128xf32, #tpu.memory_space<hbm>>) target(%arg20 : memref<128x128xf32, #tpu.memory_space<vmem>>) offsets(%dma_start3A_156 : memref<128xi32, #tpu.memory_space<vmem>>) semaphore(%arg22 : memref<!tpu.dma_semaphore, #tpu.memory_space<semaphore_mem>>)
    %dma_start3A_160 = arith.constant 384 : i32
    %dma_start3A_161 = tpu.memref_slice %arg17[%dma_start3A_160] : memref<512xi32, #tpu.memory_space<vmem>> -> memref<128xi32, #tpu.memory_space<vmem>>
    %dma_start3A_162 = arith.constant 0 : i32
    %dma_start3A_163 = arith.constant 0 : i32
    %dma_start3A_164 = tpu.memref_slice %arg9[%dma_start3A_162, %dma_start3A_163] : memref<25088x128xf32, #tpu.memory_space<hbm>> -> memref<25088x128xf32, #tpu.memory_space<hbm>>
    tpu.enqueue_indirect_dma source(%dma_start3A_164 : memref<25088x128xf32, #tpu.memory_space<hbm>>) target(%arg21 : memref<128x128xf32, #tpu.memory_space<vmem>>) offsets(%dma_start3A_161 : memref<128xi32, #tpu.memory_space<vmem>>) semaphore(%arg22 : memref<!tpu.dma_semaphore, #tpu.memory_space<semaphore_mem>>)
    %dma_wait3A_165 = arith.constant 384 : i32
    %dma_wait3A_166 = tpu.memref_slice %arg14[%dma_wait3A_165] : memref<512xi32, #tpu.memory_space<vmem>> -> memref<128xi32, #tpu.memory_space<vmem>>
    %dma_wait3A_167 = arith.constant 0 : i32
    %dma_wait3A_168 = arith.constant 0 : i32
    %dma_wait3A_169 = tpu.memref_slice %arg6[%dma_wait3A_167, %dma_wait3A_168] : memref<25088x128xf32, #tpu.memory_space<hbm>> -> memref<25088x128xf32, #tpu.memory_space<hbm>>
    tpu.wait_indirect_dma semaphore(%arg22 : memref<!tpu.dma_semaphore, #tpu.memory_space<semaphore_mem>>) src(%dma_wait3A_169 : memref<25088x128xf32, #tpu.memory_space<hbm>>) dst(%arg18 : memref<128x128xf32, #tpu.memory_space<vmem>>)
    %dma_wait3A_170 = arith.constant 384 : i32
    %dma_wait3A_171 = tpu.memref_slice %arg15[%dma_wait3A_170] : memref<512xi32, #tpu.memory_space<vmem>> -> memref<128xi32, #tpu.memory_space<vmem>>
    %dma_wait3A_172 = arith.constant 0 : i32
    %dma_wait3A_173 = arith.constant 0 : i32
    %dma_wait3A_174 = tpu.memref_slice %arg7[%dma_wait3A_172, %dma_wait3A_173] : memref<25088x128xf32, #tpu.memory_space<hbm>> -> memref<25088x128xf32, #tpu.memory_space<hbm>>
    tpu.wait_indirect_dma semaphore(%arg22 : memref<!tpu.dma_semaphore, #tpu.memory_space<semaphore_mem>>) src(%dma_wait3A_174 : memref<25088x128xf32, #tpu.memory_space<hbm>>) dst(%arg19 : memref<128x128xf32, #tpu.memory_space<vmem>>)
    %dma_wait3A_175 = arith.constant 384 : i32
    %dma_wait3A_176 = tpu.memref_slice %arg16[%dma_wait3A_175] : memref<512xi32, #tpu.memory_space<vmem>> -> memref<128xi32, #tpu.memory_space<vmem>>
    %dma_wait3A_177 = arith.constant 0 : i32
    %dma_wait3A_178 = arith.constant 0 : i32
    %dma_wait3A_179 = tpu.memref_slice %arg8[%dma_wait3A_177, %dma_wait3A_178] : memref<25088x128xf32, #tpu.memory_space<hbm>> -> memref<25088x128xf32, #tpu.memory_space<hbm>>
    tpu.wait_indirect_dma semaphore(%arg22 : memref<!tpu.dma_semaphore, #tpu.memory_space<semaphore_mem>>) src(%dma_wait3A_179 : memref<25088x128xf32, #tpu.memory_space<hbm>>) dst(%arg20 : memref<128x128xf32, #tpu.memory_space<vmem>>)
    %dma_wait3A_180 = arith.constant 384 : i32
    %dma_wait3A_181 = tpu.memref_slice %arg17[%dma_wait3A_180] : memref<512xi32, #tpu.memory_space<vmem>> -> memref<128xi32, #tpu.memory_space<vmem>>
    %dma_wait3A_182 = arith.constant 0 : i32
    %dma_wait3A_183 = arith.constant 0 : i32
    %dma_wait3A_184 = tpu.memref_slice %arg9[%dma_wait3A_182, %dma_wait3A_183] : memref<25088x128xf32, #tpu.memory_space<hbm>> -> memref<25088x128xf32, #tpu.memory_space<hbm>>
    tpu.wait_indirect_dma semaphore(%arg22 : memref<!tpu.dma_semaphore, #tpu.memory_space<semaphore_mem>>) src(%dma_wait3A_184 : memref<25088x128xf32, #tpu.memory_space<hbm>>) dst(%arg21 : memref<128x128xf32, #tpu.memory_space<vmem>>)
    %add3A_185 = arith.constant 384 : i32
    %add3A_186 = arith.addi %mul3A_2, %add3A_185 : i32
    "tpu.region"() ({
      %run_scoped3A = tpu.sem_alloc : memref<!tpu.dma_semaphore, #tpu.memory_space<semaphore_mem>>
      %dma_start3A_193 = arith.constant 0 : i32
      %dma_start3A_194 = tpu.memref_slice %arg10[%add3A_186, %dma_start3A_193] : memref<16384x128xf32, #tpu.memory_space<hbm>> -> memref<128x128xf32, #tpu.memory_space<hbm>>
      %dma_start3A_195 = arith.constant 0 : i32
      %dma_start3A_196 = tpu.memref_slice %arg10[%add3A_186, %dma_start3A_195] : memref<16384x128xf32, #tpu.memory_space<hbm>> -> memref<128x128xf32, #tpu.memory_space<hbm>>
      tpu.enqueue_dma source(%arg18 : memref<128x128xf32, #tpu.memory_space<vmem>>) target(%dma_start3A_196 : memref<128x128xf32, #tpu.memory_space<hbm>>) target_semaphore(%run_scoped3A : memref<!tpu.dma_semaphore, #tpu.memory_space<semaphore_mem>>)
      %dma_wait3A_197 = arith.constant 0 : i32
      %dma_wait3A_198 = tpu.memref_slice %arg10[%add3A_186, %dma_wait3A_197] : memref<16384x128xf32, #tpu.memory_space<hbm>> -> memref<128x128xf32, #tpu.memory_space<hbm>>
      %dma_wait3A_199 = arith.constant 0 : i32
      %dma_wait3A_200 = tpu.memref_slice %arg10[%add3A_186, %dma_wait3A_199] : memref<16384x128xf32, #tpu.memory_space<hbm>> -> memref<128x128xf32, #tpu.memory_space<hbm>>
      tpu.wait_dma2 semaphore(%run_scoped3A : memref<!tpu.dma_semaphore, #tpu.memory_space<semaphore_mem>>) src(%arg18 : memref<128x128xf32, #tpu.memory_space<vmem>>) dst(%dma_wait3A_200 : memref<128x128xf32, #tpu.memory_space<hbm>>)
      tpu.yield
    }) : () -> ()
    %add3A_187 = arith.constant 384 : i32
    %add3A_188 = arith.addi %mul3A_2, %add3A_187 : i32
    "tpu.region"() ({
      %run_scoped3A = tpu.sem_alloc : memref<!tpu.dma_semaphore, #tpu.memory_space<semaphore_mem>>
      %dma_start3A_193 = arith.constant 0 : i32
      %dma_start3A_194 = tpu.memref_slice %arg11[%add3A_188, %dma_start3A_193] : memref<16384x128xf32, #tpu.memory_space<hbm>> -> memref<128x128xf32, #tpu.memory_space<hbm>>
      %dma_start3A_195 = arith.constant 0 : i32
      %dma_start3A_196 = tpu.memref_slice %arg11[%add3A_188, %dma_start3A_195] : memref<16384x128xf32, #tpu.memory_space<hbm>> -> memref<128x128xf32, #tpu.memory_space<hbm>>
      tpu.enqueue_dma source(%arg19 : memref<128x128xf32, #tpu.memory_space<vmem>>) target(%dma_start3A_196 : memref<128x128xf32, #tpu.memory_space<hbm>>) target_semaphore(%run_scoped3A : memref<!tpu.dma_semaphore, #tpu.memory_space<semaphore_mem>>)
      %dma_wait3A_197 = arith.constant 0 : i32
      %dma_wait3A_198 = tpu.memref_slice %arg11[%add3A_188, %dma_wait3A_197] : memref<16384x128xf32, #tpu.memory_space<hbm>> -> memref<128x128xf32, #tpu.memory_space<hbm>>
      %dma_wait3A_199 = arith.constant 0 : i32
      %dma_wait3A_200 = tpu.memref_slice %arg11[%add3A_188, %dma_wait3A_199] : memref<16384x128xf32, #tpu.memory_space<hbm>> -> memref<128x128xf32, #tpu.memory_space<hbm>>
      tpu.wait_dma2 semaphore(%run_scoped3A : memref<!tpu.dma_semaphore, #tpu.memory_space<semaphore_mem>>) src(%arg19 : memref<128x128xf32, #tpu.memory_space<vmem>>) dst(%dma_wait3A_200 : memref<128x128xf32, #tpu.memory_space<hbm>>)
      tpu.yield
    }) : () -> ()
    %add3A_189 = arith.constant 384 : i32
    %add3A_190 = arith.addi %mul3A_2, %add3A_189 : i32
    "tpu.region"() ({
      %run_scoped3A = tpu.sem_alloc : memref<!tpu.dma_semaphore, #tpu.memory_space<semaphore_mem>>
      %dma_start3A_193 = arith.constant 0 : i32
      %dma_start3A_194 = tpu.memref_slice %arg12[%add3A_190, %dma_start3A_193] : memref<16384x128xf32, #tpu.memory_space<hbm>> -> memref<128x128xf32, #tpu.memory_space<hbm>>
      %dma_start3A_195 = arith.constant 0 : i32
      %dma_start3A_196 = tpu.memref_slice %arg12[%add3A_190, %dma_start3A_195] : memref<16384x128xf32, #tpu.memory_space<hbm>> -> memref<128x128xf32, #tpu.memory_space<hbm>>
      tpu.enqueue_dma source(%arg20 : memref<128x128xf32, #tpu.memory_space<vmem>>) target(%dma_start3A_196 : memref<128x128xf32, #tpu.memory_space<hbm>>) target_semaphore(%run_scoped3A : memref<!tpu.dma_semaphore, #tpu.memory_space<semaphore_mem>>)
      %dma_wait3A_197 = arith.constant 0 : i32
      %dma_wait3A_198 = tpu.memref_slice %arg12[%add3A_190, %dma_wait3A_197] : memref<16384x128xf32, #tpu.memory_space<hbm>> -> memref<128x128xf32, #tpu.memory_space<hbm>>
      %dma_wait3A_199 = arith.constant 0 : i32
      %dma_wait3A_200 = tpu.memref_slice %arg12[%add3A_190, %dma_wait3A_199] : memref<16384x128xf32, #tpu.memory_space<hbm>> -> memref<128x128xf32, #tpu.memory_space<hbm>>
      tpu.wait_dma2 semaphore(%run_scoped3A : memref<!tpu.dma_semaphore, #tpu.memory_space<semaphore_mem>>) src(%arg20 : memref<128x128xf32, #tpu.memory_space<vmem>>) dst(%dma_wait3A_200 : memref<128x128xf32, #tpu.memory_space<hbm>>)
      tpu.yield
    }) : () -> ()
    %add3A_191 = arith.constant 384 : i32
    %add3A_192 = arith.addi %mul3A_2, %add3A_191 : i32
    "tpu.region"() ({
      %run_scoped3A = tpu.sem_alloc : memref<!tpu.dma_semaphore, #tpu.memory_space<semaphore_mem>>
      %dma_start3A_193 = arith.constant 0 : i32
      %dma_start3A_194 = tpu.memref_slice %arg13[%add3A_192, %dma_start3A_193] : memref<16384x128xf32, #tpu.memory_space<hbm>> -> memref<128x128xf32, #tpu.memory_space<hbm>>
      %dma_start3A_195 = arith.constant 0 : i32
      %dma_start3A_196 = tpu.memref_slice %arg13[%add3A_192, %dma_start3A_195] : memref<16384x128xf32, #tpu.memory_space<hbm>> -> memref<128x128xf32, #tpu.memory_space<hbm>>
      tpu.enqueue_dma source(%arg21 : memref<128x128xf32, #tpu.memory_space<vmem>>) target(%dma_start3A_196 : memref<128x128xf32, #tpu.memory_space<hbm>>) target_semaphore(%run_scoped3A : memref<!tpu.dma_semaphore, #tpu.memory_space<semaphore_mem>>)
      %dma_wait3A_197 = arith.constant 0 : i32
      %dma_wait3A_198 = tpu.memref_slice %arg13[%add3A_192, %dma_wait3A_197] : memref<16384x128xf32, #tpu.memory_space<hbm>> -> memref<128x128xf32, #tpu.memory_space<hbm>>
      %dma_wait3A_199 = arith.constant 0 : i32
      %dma_wait3A_200 = tpu.memref_slice %arg13[%add3A_192, %dma_wait3A_199] : memref<16384x128xf32, #tpu.memory_space<hbm>> -> memref<128x128xf32, #tpu.memory_space<hbm>>
      tpu.wait_dma2 semaphore(%run_scoped3A : memref<!tpu.dma_semaphore, #tpu.memory_space<semaphore_mem>>) src(%arg21 : memref<128x128xf32, #tpu.memory_space<vmem>>) dst(%dma_wait3A_200 : memref<128x128xf32, #tpu.memory_space<hbm>>)
      tpu.yield
    }) : () -> ()
    return
  }
}

module attributes {stable_mosaic.version = 14 : i64} {
  func.func @_transpose_body(%arg0: i32, %arg1: memref<32x256xf32, #tpu.memory_space<vmem>>, %arg2: memref<32x256xf32, #tpu.memory_space<vmem>>, %arg3: memref<32x256xf32, #tpu.memory_space<vmem>>, %arg4: memref<32x256xf32, #tpu.memory_space<vmem>>, %arg5: memref<32x256xf32, #tpu.memory_space<vmem>>, %arg6: memref<32x256xf32, #tpu.memory_space<vmem>>, %arg7: memref<32x256xf32, #tpu.memory_space<vmem>>, %arg8: memref<32x256xf32, #tpu.memory_space<vmem>>, %arg9: memref<32x256xf32, #tpu.memory_space<vmem>>, %arg10: memref<32x256xf32, #tpu.memory_space<vmem>>, %arg11: memref<32x256xf32, #tpu.memory_space<vmem>>, %arg12: memref<32x256xf32, #tpu.memory_space<vmem>>, %arg13: memref<32x256xf32, #tpu.memory_space<vmem>>, %arg14: memref<32x256xf32, #tpu.memory_space<vmem>>, %arg15: memref<32x256xf32, #tpu.memory_space<vmem>>, %arg16: memref<32x256xf32, #tpu.memory_space<vmem>>, %arg17: memref<256x128xf32, #tpu.memory_space<vmem>>, %arg18: memref<256x128xf32, #tpu.memory_space<vmem>>, %arg19: memref<256x128xf32, #tpu.memory_space<vmem>>, %arg20: memref<256x128xf32, #tpu.memory_space<vmem>>) attributes {dimension_semantics = [#tpu.dimension_semantics<arbitrary>], iteration_bounds = array<i64: 98>, scalar_prefetch = 0 : i64, scratch_operands = 0 : i64, tpu.core_type = #tpu.core_type<tc>, window_params = [{transform_indices = @transform_0, window_bounds = array<i64: 32, 256>}, {transform_indices = @transform_1, window_bounds = array<i64: 32, 256>}, {transform_indices = @transform_2, window_bounds = array<i64: 32, 256>}, {transform_indices = @transform_3, window_bounds = array<i64: 32, 256>}, {transform_indices = @transform_4, window_bounds = array<i64: 32, 256>}, {transform_indices = @transform_5, window_bounds = array<i64: 32, 256>}, {transform_indices = @transform_6, window_bounds = array<i64: 32, 256>}, {transform_indices = @transform_7, window_bounds = array<i64: 32, 256>}, {transform_indices = @transform_8, window_bounds = array<i64: 32, 256>}, {transform_indices = @transform_9, window_bounds = array<i64: 32, 256>}, {transform_indices = @transform_10, window_bounds = array<i64: 32, 256>}, {transform_indices = @transform_11, window_bounds = array<i64: 32, 256>}, {transform_indices = @transform_12, window_bounds = array<i64: 32, 256>}, {transform_indices = @transform_13, window_bounds = array<i64: 32, 256>}, {transform_indices = @transform_14, window_bounds = array<i64: 32, 256>}, {transform_indices = @transform_15, window_bounds = array<i64: 32, 256>}, {transform_indices = @transform_16, window_bounds = array<i64: 256, 128>}, {transform_indices = @transform_17, window_bounds = array<i64: 256, 128>}, {transform_indices = @transform_18, window_bounds = array<i64: 256, 128>}, {transform_indices = @transform_19, window_bounds = array<i64: 256, 128>}]} {
    %iota3A = tpu.iota {dimensions = array<i32: 0>} : vector<128x128xi32>
    %iota3A_0 = tpu.iota {dimensions = array<i32: 1>} : vector<128x128xi32>
    %eq3A = arith.cmpi eq, %iota3A, %iota3A_0 : vector<128x128xi32>
    %convert_element_type3A = arith.extui %eq3A : vector<128x128xi1> to vector<128x128xi32>
    %convert_element_type3A_1 = arith.sitofp %convert_element_type3A : vector<128x128xi32> to vector<128x128xf32>
    %get3A = arith.constant 0 : index
    %get3A_2 = arith.constant 0 : index
    %get3A_3 = vector.load %arg1[%get3A, %get3A_2] : memref<32x256xf32, #tpu.memory_space<vmem>>, vector<32x256xf32>
    %get3A_4 = arith.constant 0 : index
    %get3A_5 = arith.constant 0 : index
    %get3A_6 = vector.load %arg2[%get3A_4, %get3A_5] : memref<32x256xf32, #tpu.memory_space<vmem>>, vector<32x256xf32>
    %get3A_7 = arith.constant 0 : index
    %get3A_8 = arith.constant 0 : index
    %get3A_9 = vector.load %arg3[%get3A_7, %get3A_8] : memref<32x256xf32, #tpu.memory_space<vmem>>, vector<32x256xf32>
    %get3A_10 = arith.constant 0 : index
    %get3A_11 = arith.constant 0 : index
    %get3A_12 = vector.load %arg4[%get3A_10, %get3A_11] : memref<32x256xf32, #tpu.memory_space<vmem>>, vector<32x256xf32>
    %concatenate3A = tpu.concatenate %get3A_3, %get3A_6, %get3A_9, %get3A_12 in 0 : vector<32x256xf32>, vector<32x256xf32>, vector<32x256xf32>, vector<32x256xf32> -> vector<128x256xf32>
    %dot_general3A = arith.constant dense<0.000000e+00> : vector<256x128xf32>
    %dot_general3A_13 = tpu.matmul %concatenate3A, %convert_element_type3A_1, %dot_general3A {dimension_numbers = #tpu.dot_dimension_numbers<[0], [0], [1], [1], [0, 1, 1, 1], [], []>, transpose_lhs_hint = false} : vector<128x256xf32>, vector<128x128xf32>, vector<256x128xf32> -> vector<256x128xf32>
    %swap3A = arith.constant 0 : index
    %swap3A_14 = arith.constant 0 : index
    %swap3A_15 = vector.load %arg17[%swap3A, %swap3A_14] : memref<256x128xf32, #tpu.memory_space<vmem>>, vector<256x128xf32>
    tpu.vector_store %arg17[%swap3A, %swap3A_14], %dot_general3A_13 {strides = array<i32>} : memref<256x128xf32, #tpu.memory_space<vmem>>, vector<256x128xf32>,
    %get3A_16 = arith.constant 0 : index
    %get3A_17 = arith.constant 0 : index
    %get3A_18 = vector.load %arg5[%get3A_16, %get3A_17] : memref<32x256xf32, #tpu.memory_space<vmem>>, vector<32x256xf32>
    %get3A_19 = arith.constant 0 : index
    %get3A_20 = arith.constant 0 : index
    %get3A_21 = vector.load %arg6[%get3A_19, %get3A_20] : memref<32x256xf32, #tpu.memory_space<vmem>>, vector<32x256xf32>
    %get3A_22 = arith.constant 0 : index
    %get3A_23 = arith.constant 0 : index
    %get3A_24 = vector.load %arg7[%get3A_22, %get3A_23] : memref<32x256xf32, #tpu.memory_space<vmem>>, vector<32x256xf32>
    %get3A_25 = arith.constant 0 : index
    %get3A_26 = arith.constant 0 : index
    %get3A_27 = vector.load %arg8[%get3A_25, %get3A_26] : memref<32x256xf32, #tpu.memory_space<vmem>>, vector<32x256xf32>
    %concatenate3A_28 = tpu.concatenate %get3A_18, %get3A_21, %get3A_24, %get3A_27 in 0 : vector<32x256xf32>, vector<32x256xf32>, vector<32x256xf32>, vector<32x256xf32> -> vector<128x256xf32>
    %dot_general3A_29 = arith.constant dense<0.000000e+00> : vector<256x128xf32>
    %dot_general3A_30 = tpu.matmul %concatenate3A_28, %convert_element_type3A_1, %dot_general3A_29 {dimension_numbers = #tpu.dot_dimension_numbers<[0], [0], [1], [1], [0, 1, 1, 1], [], []>, transpose_lhs_hint = false} : vector<128x256xf32>, vector<128x128xf32>, vector<256x128xf32> -> vector<256x128xf32>
    %swap3A_31 = arith.constant 0 : index
    %swap3A_32 = arith.constant 0 : index
    %swap3A_33 = vector.load %arg18[%swap3A_31, %swap3A_32] : memref<256x128xf32, #tpu.memory_space<vmem>>, vector<256x128xf32>
    tpu.vector_store %arg18[%swap3A_31, %swap3A_32], %dot_general3A_30 {strides = array<i32>} : memref<256x128xf32, #tpu.memory_space<vmem>>, vector<256x128xf32>,
    %get3A_34 = arith.constant 0 : index
    %get3A_35 = arith.constant 0 : index
    %get3A_36 = vector.load %arg9[%get3A_34, %get3A_35] : memref<32x256xf32, #tpu.memory_space<vmem>>, vector<32x256xf32>
    %get3A_37 = arith.constant 0 : index
    %get3A_38 = arith.constant 0 : index
    %get3A_39 = vector.load %arg10[%get3A_37, %get3A_38] : memref<32x256xf32, #tpu.memory_space<vmem>>, vector<32x256xf32>
    %get3A_40 = arith.constant 0 : index
    %get3A_41 = arith.constant 0 : index
    %get3A_42 = vector.load %arg11[%get3A_40, %get3A_41] : memref<32x256xf32, #tpu.memory_space<vmem>>, vector<32x256xf32>
    %get3A_43 = arith.constant 0 : index
    %get3A_44 = arith.constant 0 : index
    %get3A_45 = vector.load %arg12[%get3A_43, %get3A_44] : memref<32x256xf32, #tpu.memory_space<vmem>>, vector<32x256xf32>
    %concatenate3A_46 = tpu.concatenate %get3A_36, %get3A_39, %get3A_42, %get3A_45 in 0 : vector<32x256xf32>, vector<32x256xf32>, vector<32x256xf32>, vector<32x256xf32> -> vector<128x256xf32>
    %dot_general3A_47 = arith.constant dense<0.000000e+00> : vector<256x128xf32>
    %dot_general3A_48 = tpu.matmul %concatenate3A_46, %convert_element_type3A_1, %dot_general3A_47 {dimension_numbers = #tpu.dot_dimension_numbers<[0], [0], [1], [1], [0, 1, 1, 1], [], []>, transpose_lhs_hint = false} : vector<128x256xf32>, vector<128x128xf32>, vector<256x128xf32> -> vector<256x128xf32>
    %swap3A_49 = arith.constant 0 : index
    %swap3A_50 = arith.constant 0 : index
    %swap3A_51 = vector.load %arg19[%swap3A_49, %swap3A_50] : memref<256x128xf32, #tpu.memory_space<vmem>>, vector<256x128xf32>
    tpu.vector_store %arg19[%swap3A_49, %swap3A_50], %dot_general3A_48 {strides = array<i32>} : memref<256x128xf32, #tpu.memory_space<vmem>>, vector<256x128xf32>,
    %get3A_52 = arith.constant 0 : index
    %get3A_53 = arith.constant 0 : index
    %get3A_54 = vector.load %arg13[%get3A_52, %get3A_53] : memref<32x256xf32, #tpu.memory_space<vmem>>, vector<32x256xf32>
    %get3A_55 = arith.constant 0 : index
    %get3A_56 = arith.constant 0 : index
    %get3A_57 = vector.load %arg14[%get3A_55, %get3A_56] : memref<32x256xf32, #tpu.memory_space<vmem>>, vector<32x256xf32>
    %get3A_58 = arith.constant 0 : index
    %get3A_59 = arith.constant 0 : index
    %get3A_60 = vector.load %arg15[%get3A_58, %get3A_59] : memref<32x256xf32, #tpu.memory_space<vmem>>, vector<32x256xf32>
    %get3A_61 = arith.constant 0 : index
    %get3A_62 = arith.constant 0 : index
    %get3A_63 = vector.load %arg16[%get3A_61, %get3A_62] : memref<32x256xf32, #tpu.memory_space<vmem>>, vector<32x256xf32>
    %concatenate3A_64 = tpu.concatenate %get3A_54, %get3A_57, %get3A_60, %get3A_63 in 0 : vector<32x256xf32>, vector<32x256xf32>, vector<32x256xf32>, vector<32x256xf32> -> vector<128x256xf32>
    %dot_general3A_65 = arith.constant dense<0.000000e+00> : vector<256x128xf32>
    %dot_general3A_66 = tpu.matmul %concatenate3A_64, %convert_element_type3A_1, %dot_general3A_65 {dimension_numbers = #tpu.dot_dimension_numbers<[0], [0], [1], [1], [0, 1, 1, 1], [], []>, transpose_lhs_hint = false} : vector<128x256xf32>, vector<128x128xf32>, vector<256x128xf32> -> vector<256x128xf32>
    %swap3A_67 = arith.constant 0 : index
    %swap3A_68 = arith.constant 0 : index
    %swap3A_69 = vector.load %arg20[%swap3A_67, %swap3A_68] : memref<256x128xf32, #tpu.memory_space<vmem>>, vector<256x128xf32>
    tpu.vector_store %arg20[%swap3A_67, %swap3A_68], %dot_general3A_66 {strides = array<i32>} : memref<256x128xf32, #tpu.memory_space<vmem>>, vector<256x128xf32>,
    return
  }
  func.func @transform_0(%arg0: i32) -> (i32, i32) {
    %add3A = arith.constant 0 : i32
    %add3A_0 = arith.addi %add3A, %arg0 : i32
    %c0_i32 = arith.constant 0 : i32
    %c0_i32_1 = arith.constant 0 : i32
    return %c0_i32, %add3A_0 : i32, i32
  }
  func.func @transform_1(%arg0: i32) -> (i32, i32) {
    %add3A = arith.constant 98 : i32
    %add3A_0 = arith.addi %add3A, %arg0 : i32
    %c0_i32 = arith.constant 0 : i32
    %c0_i32_1 = arith.constant 0 : i32
    return %c0_i32, %add3A_0 : i32, i32
  }
  func.func @transform_2(%arg0: i32) -> (i32, i32) {
    %add3A = arith.constant 196 : i32
    %add3A_0 = arith.addi %add3A, %arg0 : i32
    %c0_i32 = arith.constant 0 : i32
    %c0_i32_1 = arith.constant 0 : i32
    return %c0_i32, %add3A_0 : i32, i32
  }
  func.func @transform_3(%arg0: i32) -> (i32, i32) {
    %add3A = arith.constant 294 : i32
    %add3A_0 = arith.addi %add3A, %arg0 : i32
    %c0_i32 = arith.constant 0 : i32
    %c0_i32_1 = arith.constant 0 : i32
    return %c0_i32, %add3A_0 : i32, i32
  }
  func.func @transform_4(%arg0: i32) -> (i32, i32) {
    %add3A = arith.constant 0 : i32
    %add3A_0 = arith.addi %add3A, %arg0 : i32
    %c0_i32 = arith.constant 0 : i32
    %c0_i32_1 = arith.constant 0 : i32
    return %c0_i32, %add3A_0 : i32, i32
  }
  func.func @transform_5(%arg0: i32) -> (i32, i32) {
    %add3A = arith.constant 98 : i32
    %add3A_0 = arith.addi %add3A, %arg0 : i32
    %c0_i32 = arith.constant 0 : i32
    %c0_i32_1 = arith.constant 0 : i32
    return %c0_i32, %add3A_0 : i32, i32
  }
  func.func @transform_6(%arg0: i32) -> (i32, i32) {
    %add3A = arith.constant 196 : i32
    %add3A_0 = arith.addi %add3A, %arg0 : i32
    %c0_i32 = arith.constant 0 : i32
    %c0_i32_1 = arith.constant 0 : i32
    return %c0_i32, %add3A_0 : i32, i32
  }
  func.func @transform_7(%arg0: i32) -> (i32, i32) {
    %add3A = arith.constant 294 : i32
    %add3A_0 = arith.addi %add3A, %arg0 : i32
    %c0_i32 = arith.constant 0 : i32
    %c0_i32_1 = arith.constant 0 : i32
    return %c0_i32, %add3A_0 : i32, i32
  }
  func.func @transform_8(%arg0: i32) -> (i32, i32) {
    %add3A = arith.constant 0 : i32
    %add3A_0 = arith.addi %add3A, %arg0 : i32
    %c0_i32 = arith.constant 0 : i32
    %c0_i32_1 = arith.constant 0 : i32
    return %c0_i32, %add3A_0 : i32, i32
  }
  func.func @transform_9(%arg0: i32) -> (i32, i32) {
    %add3A = arith.constant 98 : i32
    %add3A_0 = arith.addi %add3A, %arg0 : i32
    %c0_i32 = arith.constant 0 : i32
    %c0_i32_1 = arith.constant 0 : i32
    return %c0_i32, %add3A_0 : i32, i32
  }
  func.func @transform_10(%arg0: i32) -> (i32, i32) {
    %add3A = arith.constant 196 : i32
    %add3A_0 = arith.addi %add3A, %arg0 : i32
    %c0_i32 = arith.constant 0 : i32
    %c0_i32_1 = arith.constant 0 : i32
    return %c0_i32, %add3A_0 : i32, i32
  }
  func.func @transform_11(%arg0: i32) -> (i32, i32) {
    %add3A = arith.constant 294 : i32
    %add3A_0 = arith.addi %add3A, %arg0 : i32
    %c0_i32 = arith.constant 0 : i32
    %c0_i32_1 = arith.constant 0 : i32
    return %c0_i32, %add3A_0 : i32, i32
  }
  func.func @transform_12(%arg0: i32) -> (i32, i32) {
    %add3A = arith.constant 0 : i32
    %add3A_0 = arith.addi %add3A, %arg0 : i32
    %c0_i32 = arith.constant 0 : i32
    %c0_i32_1 = arith.constant 0 : i32
    return %c0_i32, %add3A_0 : i32, i32
  }
  func.func @transform_13(%arg0: i32) -> (i32, i32) {
    %add3A = arith.constant 98 : i32
    %add3A_0 = arith.addi %add3A, %arg0 : i32
    %c0_i32 = arith.constant 0 : i32
    %c0_i32_1 = arith.constant 0 : i32
    return %c0_i32, %add3A_0 : i32, i32
  }
  func.func @transform_14(%arg0: i32) -> (i32, i32) {
    %add3A = arith.constant 196 : i32
    %add3A_0 = arith.addi %add3A, %arg0 : i32
    %c0_i32 = arith.constant 0 : i32
    %c0_i32_1 = arith.constant 0 : i32
    return %c0_i32, %add3A_0 : i32, i32
  }
  func.func @transform_15(%arg0: i32) -> (i32, i32) {
    %add3A = arith.constant 294 : i32
    %add3A_0 = arith.addi %add3A, %arg0 : i32
    %c0_i32 = arith.constant 0 : i32
    %c0_i32_1 = arith.constant 0 : i32
    return %c0_i32, %add3A_0 : i32, i32
  }
  func.func @transform_16(%arg0: i32) -> (i32, i32) {
    %c0_i32 = arith.constant 0 : i32
    %c0_i32_0 = arith.constant 0 : i32
    return %arg0, %c0_i32 : i32, i32
  }
  func.func @transform_17(%arg0: i32) -> (i32, i32) {
    %c0_i32 = arith.constant 0 : i32
    %c0_i32_0 = arith.constant 0 : i32
    return %arg0, %c0_i32 : i32, i32
  }
  func.func @transform_18(%arg0: i32) -> (i32, i32) {
    %c0_i32 = arith.constant 0 : i32
    %c0_i32_0 = arith.constant 0 : i32
    return %arg0, %c0_i32 : i32, i32
  }
  func.func @transform_19(%arg0: i32) -> (i32, i32) {
    %c0_i32 = arith.constant 0 : i32
    %c0_i32_0 = arith.constant 0 : i32
    return %arg0, %c0_i32 : i32, i32
  }
}

module attributes {stable_mosaic.version = 14 : i64} {
  func.func @_tc_mlp_body(%arg0: i32, %arg1: memref<1024x128xf32, #tpu.memory_space<vmem>>, %arg2: memref<1024x128xf32, #tpu.memory_space<vmem>>, %arg3: memref<1024x128xf32, #tpu.memory_space<vmem>>, %arg4: memref<1024x128xf32, #tpu.memory_space<vmem>>, %arg5: memref<1024x4xi32, #tpu.memory_space<vmem>>, %arg6: memref<1024x3xf32, #tpu.memory_space<vmem>>, %arg7: memref<1x128xf32, #tpu.memory_space<vmem>>, %arg8: memref<1x128xf32, #tpu.memory_space<vmem>>, %arg9: memref<1x3xf32, #tpu.memory_space<vmem>>, %arg10: memref<1x3xf32, #tpu.memory_space<vmem>>, %arg11: memref<128x256xf32, #tpu.memory_space<vmem>>, %arg12: memref<3x256xf32, #tpu.memory_space<vmem>>, %arg13: memref<1x256xf32, #tpu.memory_space<vmem>>, %arg14: memref<1x256xf32, #tpu.memory_space<vmem>>, %arg15: memref<1x256xf32, #tpu.memory_space<vmem>>, %arg16: memref<256x128xf32, #tpu.memory_space<vmem>>, %arg17: memref<1x128xf32, #tpu.memory_space<vmem>>, %arg18: memref<1024x128xf32, #tpu.memory_space<vmem>>) attributes {dimension_semantics = [#tpu.dimension_semantics<arbitrary>], iteration_bounds = array<i64: 16>, scalar_prefetch = 0 : i64, scratch_operands = 0 : i64, tpu.core_type = #tpu.core_type<tc>, window_params = [{transform_indices = @transform_0, window_bounds = array<i64: 1024, 128>}, {transform_indices = @transform_1, window_bounds = array<i64: 1024, 128>}, {transform_indices = @transform_2, window_bounds = array<i64: 1024, 128>}, {transform_indices = @transform_3, window_bounds = array<i64: 1024, 128>}, {transform_indices = @transform_4, window_bounds = array<i64: 1024, 4>}, {transform_indices = @transform_5, window_bounds = array<i64: 1024, 3>}, {pipeline_mode = #tpu.pipeline_mode<synchronous>, transform_indices = @transform_6, window_bounds = array<i64: 1, 128>}, {pipeline_mode = #tpu.pipeline_mode<synchronous>, transform_indices = @transform_7, window_bounds = array<i64: 1, 128>}, {pipeline_mode = #tpu.pipeline_mode<synchronous>, transform_indices = @transform_8, window_bounds = array<i64: 1, 3>}, {pipeline_mode = #tpu.pipeline_mode<synchronous>, transform_indices = @transform_9, window_bounds = array<i64: 1, 3>}, {pipeline_mode = #tpu.pipeline_mode<synchronous>, transform_indices = @transform_10, window_bounds = array<i64: 128, 256>}, {pipeline_mode = #tpu.pipeline_mode<synchronous>, transform_indices = @transform_11, window_bounds = array<i64: 3, 256>}, {pipeline_mode = #tpu.pipeline_mode<synchronous>, transform_indices = @transform_12, window_bounds = array<i64: 1, 256>}, {pipeline_mode = #tpu.pipeline_mode<synchronous>, transform_indices = @transform_13, window_bounds = array<i64: 1, 256>}, {pipeline_mode = #tpu.pipeline_mode<synchronous>, transform_indices = @transform_14, window_bounds = array<i64: 1, 256>}, {pipeline_mode = #tpu.pipeline_mode<synchronous>, transform_indices = @transform_15, window_bounds = array<i64: 256, 128>}, {pipeline_mode = #tpu.pipeline_mode<synchronous>, transform_indices = @transform_16, window_bounds = array<i64: 1, 128>}, {transform_indices = @transform_17, window_bounds = array<i64: 1024, 128>}]} {
    %get3A = arith.constant 0 : index
    %get3A_0 = arith.constant 0 : index
    %get3A_1 = vector.load %arg5[%get3A, %get3A_0] : memref<1024x4xi32, #tpu.memory_space<vmem>>, vector<1024x4xi32>
    %get3A_2 = arith.constant 0 : index
    %get3A_3 = arith.constant 0 : index
    %get3A_4 = vector.load %arg1[%get3A_2, %get3A_3] : memref<1024x128xf32, #tpu.memory_space<vmem>>, vector<1024x128xf32>
    %slice3A = vector.extract_strided_slice %get3A_1 {offsets = [0, 0], sizes = [1024, 1], strides = [1, 1]} : vector<1024x4xi32> to vector<1024x1xi32>
    %iota3A = tpu.iota {dimensions = array<i32: 1>} : vector<1024x128xi32>
    %jit3A = arith.constant 32 : i32
    %div3A = vector.broadcast %jit3A : i32 to vector<1024x128xi32>
    %div3A_5 = arith.divsi %iota3A, %div3A : vector<1024x128xi32>
    %sign3A = arith.constant 0 : i32
    %sign3A_6 = vector.broadcast %sign3A : i32 to vector<1024x128xi32>
    %sign3A_7 = arith.cmpi sgt, %iota3A, %sign3A_6 : vector<1024x128xi32>
    %sign3A_8 = arith.extui %sign3A_7 : vector<1024x128xi1> to vector<1024x128xi32>
    %sign3A_9 = arith.constant 0 : i32
    %sign3A_10 = vector.broadcast %sign3A_9 : i32 to vector<1024x128xi32>
    %sign3A_11 = arith.cmpi slt, %iota3A, %sign3A_10 : vector<1024x128xi32>
    %sign3A_12 = arith.extui %sign3A_11 : vector<1024x128xi1> to vector<1024x128xi32>
    %sign3A_13 = arith.subi %sign3A_8, %sign3A_12 : vector<1024x128xi32>
    %sign3A_14 = arith.constant 0 : i32
    %sign3A_15 = arith.cmpi sgt, %jit3A, %sign3A_14 : i32
    %sign3A_16 = arith.extui %sign3A_15 : i1 to i32
    %sign3A_17 = arith.constant 0 : i32
    %sign3A_18 = arith.cmpi slt, %jit3A, %sign3A_17 : i32
    %sign3A_19 = arith.extui %sign3A_18 : i1 to i32
    %sign3A_20 = arith.subi %sign3A_16, %sign3A_19 : i32
    %ne3A = vector.broadcast %sign3A_20 : i32 to vector<1024x128xi32>
    %ne3A_21 = arith.cmpi ne, %sign3A_13, %ne3A : vector<1024x128xi32>
    %rem3A = vector.broadcast %jit3A : i32 to vector<1024x128xi32>
    %rem3A_22 = arith.remsi %iota3A, %rem3A : vector<1024x128xi32>
    %ne3A_23 = arith.constant 0 : i32
    %ne3A_24 = vector.broadcast %ne3A_23 : i32 to vector<1024x128xi32>
    %ne3A_25 = arith.cmpi ne, %rem3A_22, %ne3A_24 : vector<1024x128xi32>
    %and3A = arith.andi %ne3A_21, %ne3A_25 : vector<1024x128xi1>
    %sub3A = arith.constant 1 : i32
    %sub3A_26 = vector.broadcast %sub3A : i32 to vector<1024x128xi32>
    %sub3A_27 = arith.subi %div3A_5, %sub3A_26 : vector<1024x128xi32>
    %select_n3A = arith.select %and3A, %sub3A_27, %div3A_5 : vector<1024x128xi1>, vector<1024x128xi32>
    %eq3A = vector.broadcast %slice3A : vector<1024x1xi32> to vector<1024x128xi32>
    %eq3A_28 = arith.cmpi eq, %select_n3A, %eq3A : vector<1024x128xi32>
    %jit3A_29 = arith.constant 0.000000e+00 : f32
    %broadcast_in_dim3A = vector.broadcast %jit3A_29 : f32 to vector<1024x128xf32>
    %select_n3A_30 = arith.select %eq3A_28, %get3A_4, %broadcast_in_dim3A : vector<1024x128xi1>, vector<1024x128xf32>
    %slice3A_31 = vector.extract_strided_slice %select_n3A_30 {offsets = [0, 0], sizes = [1024, 32], strides = [1, 1]} : vector<1024x128xf32> to vector<1024x32xf32>
    %slice3A_32 = vector.extract_strided_slice %select_n3A_30 {offsets = [0, 32], sizes = [1024, 32], strides = [1, 1]} : vector<1024x128xf32> to vector<1024x32xf32>
    %add3A = arith.addf %slice3A_31, %slice3A_32 : vector<1024x32xf32>
    %slice3A_33 = vector.extract_strided_slice %select_n3A_30 {offsets = [0, 64], sizes = [1024, 32], strides = [1, 1]} : vector<1024x128xf32> to vector<1024x32xf32>
    %slice3A_34 = vector.extract_strided_slice %select_n3A_30 {offsets = [0, 96], sizes = [1024, 32], strides = [1, 1]} : vector<1024x128xf32> to vector<1024x32xf32>
    %add3A_35 = arith.addf %slice3A_33, %slice3A_34 : vector<1024x32xf32>
    %add3A_36 = arith.addf %add3A, %add3A_35 : vector<1024x32xf32>
    %get3A_37 = arith.constant 0 : index
    %get3A_38 = arith.constant 0 : index
    %get3A_39 = vector.load %arg2[%get3A_37, %get3A_38] : memref<1024x128xf32, #tpu.memory_space<vmem>>, vector<1024x128xf32>
    %slice3A_40 = vector.extract_strided_slice %get3A_1 {offsets = [0, 1], sizes = [1024, 1], strides = [1, 1]} : vector<1024x4xi32> to vector<1024x1xi32>
    %iota3A_41 = tpu.iota {dimensions = array<i32: 1>} : vector<1024x128xi32>
    %jit3A_42 = arith.constant 32 : i32
    %div3A_43 = vector.broadcast %jit3A_42 : i32 to vector<1024x128xi32>
    %div3A_44 = arith.divsi %iota3A_41, %div3A_43 : vector<1024x128xi32>
    %sign3A_45 = arith.constant 0 : i32
    %sign3A_46 = vector.broadcast %sign3A_45 : i32 to vector<1024x128xi32>
    %sign3A_47 = arith.cmpi sgt, %iota3A_41, %sign3A_46 : vector<1024x128xi32>
    %sign3A_48 = arith.extui %sign3A_47 : vector<1024x128xi1> to vector<1024x128xi32>
    %sign3A_49 = arith.constant 0 : i32
    %sign3A_50 = vector.broadcast %sign3A_49 : i32 to vector<1024x128xi32>
    %sign3A_51 = arith.cmpi slt, %iota3A_41, %sign3A_50 : vector<1024x128xi32>
    %sign3A_52 = arith.extui %sign3A_51 : vector<1024x128xi1> to vector<1024x128xi32>
    %sign3A_53 = arith.subi %sign3A_48, %sign3A_52 : vector<1024x128xi32>
    %sign3A_54 = arith.constant 0 : i32
    %sign3A_55 = arith.cmpi sgt, %jit3A_42, %sign3A_54 : i32
    %sign3A_56 = arith.extui %sign3A_55 : i1 to i32
    %sign3A_57 = arith.constant 0 : i32
    %sign3A_58 = arith.cmpi slt, %jit3A_42, %sign3A_57 : i32
    %sign3A_59 = arith.extui %sign3A_58 : i1 to i32
    %sign3A_60 = arith.subi %sign3A_56, %sign3A_59 : i32
    %ne3A_61 = vector.broadcast %sign3A_60 : i32 to vector<1024x128xi32>
    %ne3A_62 = arith.cmpi ne, %sign3A_53, %ne3A_61 : vector<1024x128xi32>
    %rem3A_63 = vector.broadcast %jit3A_42 : i32 to vector<1024x128xi32>
    %rem3A_64 = arith.remsi %iota3A_41, %rem3A_63 : vector<1024x128xi32>
    %ne3A_65 = arith.constant 0 : i32
    %ne3A_66 = vector.broadcast %ne3A_65 : i32 to vector<1024x128xi32>
    %ne3A_67 = arith.cmpi ne, %rem3A_64, %ne3A_66 : vector<1024x128xi32>
    %and3A_68 = arith.andi %ne3A_62, %ne3A_67 : vector<1024x128xi1>
    %sub3A_69 = arith.constant 1 : i32
    %sub3A_70 = vector.broadcast %sub3A_69 : i32 to vector<1024x128xi32>
    %sub3A_71 = arith.subi %div3A_44, %sub3A_70 : vector<1024x128xi32>
    %select_n3A_72 = arith.select %and3A_68, %sub3A_71, %div3A_44 : vector<1024x128xi1>, vector<1024x128xi32>
    %eq3A_73 = vector.broadcast %slice3A_40 : vector<1024x1xi32> to vector<1024x128xi32>
    %eq3A_74 = arith.cmpi eq, %select_n3A_72, %eq3A_73 : vector<1024x128xi32>
    %jit3A_75 = arith.constant 0.000000e+00 : f32
    %broadcast_in_dim3A_76 = vector.broadcast %jit3A_75 : f32 to vector<1024x128xf32>
    %select_n3A_77 = arith.select %eq3A_74, %get3A_39, %broadcast_in_dim3A_76 : vector<1024x128xi1>, vector<1024x128xf32>
    %slice3A_78 = vector.extract_strided_slice %select_n3A_77 {offsets = [0, 0], sizes = [1024, 32], strides = [1, 1]} : vector<1024x128xf32> to vector<1024x32xf32>
    %slice3A_79 = vector.extract_strided_slice %select_n3A_77 {offsets = [0, 32], sizes = [1024, 32], strides = [1, 1]} : vector<1024x128xf32> to vector<1024x32xf32>
    %add3A_80 = arith.addf %slice3A_78, %slice3A_79 : vector<1024x32xf32>
    %slice3A_81 = vector.extract_strided_slice %select_n3A_77 {offsets = [0, 64], sizes = [1024, 32], strides = [1, 1]} : vector<1024x128xf32> to vector<1024x32xf32>
    %slice3A_82 = vector.extract_strided_slice %select_n3A_77 {offsets = [0, 96], sizes = [1024, 32], strides = [1, 1]} : vector<1024x128xf32> to vector<1024x32xf32>
    %add3A_83 = arith.addf %slice3A_81, %slice3A_82 : vector<1024x32xf32>
    %add3A_84 = arith.addf %add3A_80, %add3A_83 : vector<1024x32xf32>
    %get3A_85 = arith.constant 0 : index
    %get3A_86 = arith.constant 0 : index
    %get3A_87 = vector.load %arg3[%get3A_85, %get3A_86] : memref<1024x128xf32, #tpu.memory_space<vmem>>, vector<1024x128xf32>
    %slice3A_88 = vector.extract_strided_slice %get3A_1 {offsets = [0, 2], sizes = [1024, 1], strides = [1, 1]} : vector<1024x4xi32> to vector<1024x1xi32>
    %iota3A_89 = tpu.iota {dimensions = array<i32: 1>} : vector<1024x128xi32>
    %jit3A_90 = arith.constant 32 : i32
    %div3A_91 = vector.broadcast %jit3A_90 : i32 to vector<1024x128xi32>
    %div3A_92 = arith.divsi %iota3A_89, %div3A_91 : vector<1024x128xi32>
    %sign3A_93 = arith.constant 0 : i32
    %sign3A_94 = vector.broadcast %sign3A_93 : i32 to vector<1024x128xi32>
    %sign3A_95 = arith.cmpi sgt, %iota3A_89, %sign3A_94 : vector<1024x128xi32>
    %sign3A_96 = arith.extui %sign3A_95 : vector<1024x128xi1> to vector<1024x128xi32>
    %sign3A_97 = arith.constant 0 : i32
    %sign3A_98 = vector.broadcast %sign3A_97 : i32 to vector<1024x128xi32>
    %sign3A_99 = arith.cmpi slt, %iota3A_89, %sign3A_98 : vector<1024x128xi32>
    %sign3A_100 = arith.extui %sign3A_99 : vector<1024x128xi1> to vector<1024x128xi32>
    %sign3A_101 = arith.subi %sign3A_96, %sign3A_100 : vector<1024x128xi32>
    %sign3A_102 = arith.constant 0 : i32
    %sign3A_103 = arith.cmpi sgt, %jit3A_90, %sign3A_102 : i32
    %sign3A_104 = arith.extui %sign3A_103 : i1 to i32
    %sign3A_105 = arith.constant 0 : i32
    %sign3A_106 = arith.cmpi slt, %jit3A_90, %sign3A_105 : i32
    %sign3A_107 = arith.extui %sign3A_106 : i1 to i32
    %sign3A_108 = arith.subi %sign3A_104, %sign3A_107 : i32
    %ne3A_109 = vector.broadcast %sign3A_108 : i32 to vector<1024x128xi32>
    %ne3A_110 = arith.cmpi ne, %sign3A_101, %ne3A_109 : vector<1024x128xi32>
    %rem3A_111 = vector.broadcast %jit3A_90 : i32 to vector<1024x128xi32>
    %rem3A_112 = arith.remsi %iota3A_89, %rem3A_111 : vector<1024x128xi32>
    %ne3A_113 = arith.constant 0 : i32
    %ne3A_114 = vector.broadcast %ne3A_113 : i32 to vector<1024x128xi32>
    %ne3A_115 = arith.cmpi ne, %rem3A_112, %ne3A_114 : vector<1024x128xi32>
    %and3A_116 = arith.andi %ne3A_110, %ne3A_115 : vector<1024x128xi1>
    %sub3A_117 = arith.constant 1 : i32
    %sub3A_118 = vector.broadcast %sub3A_117 : i32 to vector<1024x128xi32>
    %sub3A_119 = arith.subi %div3A_92, %sub3A_118 : vector<1024x128xi32>
    %select_n3A_120 = arith.select %and3A_116, %sub3A_119, %div3A_92 : vector<1024x128xi1>, vector<1024x128xi32>
    %eq3A_121 = vector.broadcast %slice3A_88 : vector<1024x1xi32> to vector<1024x128xi32>
    %eq3A_122 = arith.cmpi eq, %select_n3A_120, %eq3A_121 : vector<1024x128xi32>
    %jit3A_123 = arith.constant 0.000000e+00 : f32
    %broadcast_in_dim3A_124 = vector.broadcast %jit3A_123 : f32 to vector<1024x128xf32>
    %select_n3A_125 = arith.select %eq3A_122, %get3A_87, %broadcast_in_dim3A_124 : vector<1024x128xi1>, vector<1024x128xf32>
    %slice3A_126 = vector.extract_strided_slice %select_n3A_125 {offsets = [0, 0], sizes = [1024, 32], strides = [1, 1]} : vector<1024x128xf32> to vector<1024x32xf32>
    %slice3A_127 = vector.extract_strided_slice %select_n3A_125 {offsets = [0, 32], sizes = [1024, 32], strides = [1, 1]} : vector<1024x128xf32> to vector<1024x32xf32>
    %add3A_128 = arith.addf %slice3A_126, %slice3A_127 : vector<1024x32xf32>
    %slice3A_129 = vector.extract_strided_slice %select_n3A_125 {offsets = [0, 64], sizes = [1024, 32], strides = [1, 1]} : vector<1024x128xf32> to vector<1024x32xf32>
    %slice3A_130 = vector.extract_strided_slice %select_n3A_125 {offsets = [0, 96], sizes = [1024, 32], strides = [1, 1]} : vector<1024x128xf32> to vector<1024x32xf32>
    %add3A_131 = arith.addf %slice3A_129, %slice3A_130 : vector<1024x32xf32>
    %add3A_132 = arith.addf %add3A_128, %add3A_131 : vector<1024x32xf32>
    %get3A_133 = arith.constant 0 : index
    %get3A_134 = arith.constant 0 : index
    %get3A_135 = vector.load %arg4[%get3A_133, %get3A_134] : memref<1024x128xf32, #tpu.memory_space<vmem>>, vector<1024x128xf32>
    %slice3A_136 = vector.extract_strided_slice %get3A_1 {offsets = [0, 3], sizes = [1024, 1], strides = [1, 1]} : vector<1024x4xi32> to vector<1024x1xi32>
    %iota3A_137 = tpu.iota {dimensions = array<i32: 1>} : vector<1024x128xi32>
    %jit3A_138 = arith.constant 32 : i32
    %div3A_139 = vector.broadcast %jit3A_138 : i32 to vector<1024x128xi32>
    %div3A_140 = arith.divsi %iota3A_137, %div3A_139 : vector<1024x128xi32>
    %sign3A_141 = arith.constant 0 : i32
    %sign3A_142 = vector.broadcast %sign3A_141 : i32 to vector<1024x128xi32>
    %sign3A_143 = arith.cmpi sgt, %iota3A_137, %sign3A_142 : vector<1024x128xi32>
    %sign3A_144 = arith.extui %sign3A_143 : vector<1024x128xi1> to vector<1024x128xi32>
    %sign3A_145 = arith.constant 0 : i32
    %sign3A_146 = vector.broadcast %sign3A_145 : i32 to vector<1024x128xi32>
    %sign3A_147 = arith.cmpi slt, %iota3A_137, %sign3A_146 : vector<1024x128xi32>
    %sign3A_148 = arith.extui %sign3A_147 : vector<1024x128xi1> to vector<1024x128xi32>
    %sign3A_149 = arith.subi %sign3A_144, %sign3A_148 : vector<1024x128xi32>
    %sign3A_150 = arith.constant 0 : i32
    %sign3A_151 = arith.cmpi sgt, %jit3A_138, %sign3A_150 : i32
    %sign3A_152 = arith.extui %sign3A_151 : i1 to i32
    %sign3A_153 = arith.constant 0 : i32
    %sign3A_154 = arith.cmpi slt, %jit3A_138, %sign3A_153 : i32
    %sign3A_155 = arith.extui %sign3A_154 : i1 to i32
    %sign3A_156 = arith.subi %sign3A_152, %sign3A_155 : i32
    %ne3A_157 = vector.broadcast %sign3A_156 : i32 to vector<1024x128xi32>
    %ne3A_158 = arith.cmpi ne, %sign3A_149, %ne3A_157 : vector<1024x128xi32>
    %rem3A_159 = vector.broadcast %jit3A_138 : i32 to vector<1024x128xi32>
    %rem3A_160 = arith.remsi %iota3A_137, %rem3A_159 : vector<1024x128xi32>
    %ne3A_161 = arith.constant 0 : i32
    %ne3A_162 = vector.broadcast %ne3A_161 : i32 to vector<1024x128xi32>
    %ne3A_163 = arith.cmpi ne, %rem3A_160, %ne3A_162 : vector<1024x128xi32>
    %and3A_164 = arith.andi %ne3A_158, %ne3A_163 : vector<1024x128xi1>
    %sub3A_165 = arith.constant 1 : i32
    %sub3A_166 = vector.broadcast %sub3A_165 : i32 to vector<1024x128xi32>
    %sub3A_167 = arith.subi %div3A_140, %sub3A_166 : vector<1024x128xi32>
    %select_n3A_168 = arith.select %and3A_164, %sub3A_167, %div3A_140 : vector<1024x128xi1>, vector<1024x128xi32>
    %eq3A_169 = vector.broadcast %slice3A_136 : vector<1024x1xi32> to vector<1024x128xi32>
    %eq3A_170 = arith.cmpi eq, %select_n3A_168, %eq3A_169 : vector<1024x128xi32>
    %jit3A_171 = arith.constant 0.000000e+00 : f32
    %broadcast_in_dim3A_172 = vector.broadcast %jit3A_171 : f32 to vector<1024x128xf32>
    %select_n3A_173 = arith.select %eq3A_170, %get3A_135, %broadcast_in_dim3A_172 : vector<1024x128xi1>, vector<1024x128xf32>
    %slice3A_174 = vector.extract_strided_slice %select_n3A_173 {offsets = [0, 0], sizes = [1024, 32], strides = [1, 1]} : vector<1024x128xf32> to vector<1024x32xf32>
    %slice3A_175 = vector.extract_strided_slice %select_n3A_173 {offsets = [0, 32], sizes = [1024, 32], strides = [1, 1]} : vector<1024x128xf32> to vector<1024x32xf32>
    %add3A_176 = arith.addf %slice3A_174, %slice3A_175 : vector<1024x32xf32>
    %slice3A_177 = vector.extract_strided_slice %select_n3A_173 {offsets = [0, 64], sizes = [1024, 32], strides = [1, 1]} : vector<1024x128xf32> to vector<1024x32xf32>
    %slice3A_178 = vector.extract_strided_slice %select_n3A_173 {offsets = [0, 96], sizes = [1024, 32], strides = [1, 1]} : vector<1024x128xf32> to vector<1024x32xf32>
    %add3A_179 = arith.addf %slice3A_177, %slice3A_178 : vector<1024x32xf32>
    %add3A_180 = arith.addf %add3A_176, %add3A_179 : vector<1024x32xf32>
    %concatenate3A = tpu.concatenate %add3A_36, %add3A_84, %add3A_132, %add3A_180 in 1 : vector<1024x32xf32>, vector<1024x32xf32>, vector<1024x32xf32>, vector<1024x32xf32> -> vector<1024x128xf32>
    %get3A_181 = arith.constant 0 : index
    %get3A_182 = arith.constant 0 : index
    %get3A_183 = vector.load %arg6[%get3A_181, %get3A_182] : memref<1024x3xf32, #tpu.memory_space<vmem>>, vector<1024x3xf32>
    %reduce_sum3A = arith.constant dense<0.000000e+00> : vector<1024xf32>
    %reduce_sum3A_184 = vector.multi_reduction <add>, %concatenate3A, %reduce_sum3A [1] : vector<1024x128xf32> to vector<1024xf32>
    %broadcast_in_dim3A_185 = vector.shape_cast %reduce_sum3A_184 : vector<1024xf32> to vector<1024x1xf32>
    %reduce_sum3A_186 = arith.constant dense<0.000000e+00> : vector<1024xf32>
    %reduce_sum3A_187 = vector.multi_reduction <add>, %get3A_183, %reduce_sum3A_186 [1] : vector<1024x3xf32> to vector<1024xf32>
    %broadcast_in_dim3A_188 = vector.shape_cast %reduce_sum3A_187 : vector<1024xf32> to vector<1024x1xf32>
    %add3A_189 = arith.addf %broadcast_in_dim3A_185, %broadcast_in_dim3A_188 : vector<1024x1xf32>
    %mul3A = arith.constant 0.00763358781 : f32
    %mul3A_190 = vector.broadcast %mul3A : f32 to vector<1024x1xf32>
    %mul3A_191 = arith.mulf %add3A_189, %mul3A_190 : vector<1024x1xf32>
    %mul3A_192 = arith.mulf %concatenate3A, %concatenate3A : vector<1024x128xf32>
    %reduce_sum3A_193 = arith.constant dense<0.000000e+00> : vector<1024xf32>
    %reduce_sum3A_194 = vector.multi_reduction <add>, %mul3A_192, %reduce_sum3A_193 [1] : vector<1024x128xf32> to vector<1024xf32>
    %broadcast_in_dim3A_195 = vector.shape_cast %reduce_sum3A_194 : vector<1024xf32> to vector<1024x1xf32>
    %mul3A_196 = arith.mulf %get3A_183, %get3A_183 : vector<1024x3xf32>
    %reduce_sum3A_197 = arith.constant dense<0.000000e+00> : vector<1024xf32>
    %reduce_sum3A_198 = vector.multi_reduction <add>, %mul3A_196, %reduce_sum3A_197 [1] : vector<1024x3xf32> to vector<1024xf32>
    %broadcast_in_dim3A_199 = vector.shape_cast %reduce_sum3A_198 : vector<1024xf32> to vector<1024x1xf32>
    %add3A_200 = arith.addf %broadcast_in_dim3A_195, %broadcast_in_dim3A_199 : vector<1024x1xf32>
    %mul3A_201 = arith.constant 0.00763358781 : f32
    %mul3A_202 = vector.broadcast %mul3A_201 : f32 to vector<1024x1xf32>
    %mul3A_203 = arith.mulf %add3A_200, %mul3A_202 : vector<1024x1xf32>
    %mul3A_204 = arith.mulf %mul3A_191, %mul3A_191 : vector<1024x1xf32>
    %sub3A_205 = arith.subf %mul3A_203, %mul3A_204 : vector<1024x1xf32>
    %add3A_206 = arith.constant 9.99999974E-6 : f32
    %add3A_207 = vector.broadcast %add3A_206 : f32 to vector<1024x1xf32>
    %add3A_208 = arith.addf %sub3A_205, %add3A_207 : vector<1024x1xf32>
    %rsqrt3A = math.rsqrt %add3A_208 : vector<1024x1xf32>
    %sub3A_209 = vector.broadcast %mul3A_191 : vector<1024x1xf32> to vector<1024x128xf32>
    %sub3A_210 = arith.subf %concatenate3A, %sub3A_209 : vector<1024x128xf32>
    %mul3A_211 = vector.broadcast %rsqrt3A : vector<1024x1xf32> to vector<1024x128xf32>
    %mul3A_212 = arith.mulf %sub3A_210, %mul3A_211 : vector<1024x128xf32>
    %get3A_213 = arith.constant 0 : index
    %get3A_214 = arith.constant 0 : index
    %get3A_215 = vector.load %arg7[%get3A_213, %get3A_214] : memref<1x128xf32, #tpu.memory_space<vmem>>, vector<1x128xf32>
    %mul3A_216 = vector.broadcast %get3A_215 : vector<1x128xf32> to vector<1024x128xf32>
    %mul3A_217 = arith.mulf %mul3A_212, %mul3A_216 : vector<1024x128xf32>
    %get3A_218 = arith.constant 0 : index
    %get3A_219 = arith.constant 0 : index
    %get3A_220 = vector.load %arg8[%get3A_218, %get3A_219] : memref<1x128xf32, #tpu.memory_space<vmem>>, vector<1x128xf32>
    %add3A_221 = vector.broadcast %get3A_220 : vector<1x128xf32> to vector<1024x128xf32>
    %add3A_222 = arith.addf %mul3A_217, %add3A_221 : vector<1024x128xf32>
    %sub3A_223 = vector.broadcast %mul3A_191 : vector<1024x1xf32> to vector<1024x3xf32>
    %sub3A_224 = arith.subf %get3A_183, %sub3A_223 : vector<1024x3xf32>
    %mul3A_225 = vector.broadcast %rsqrt3A : vector<1024x1xf32> to vector<1024x3xf32>
    %mul3A_226 = arith.mulf %sub3A_224, %mul3A_225 : vector<1024x3xf32>
    %get3A_227 = arith.constant 0 : index
    %get3A_228 = arith.constant 0 : index
    %get3A_229 = vector.load %arg9[%get3A_227, %get3A_228] : memref<1x3xf32, #tpu.memory_space<vmem>>, vector<1x3xf32>
    %mul3A_230 = vector.broadcast %get3A_229 : vector<1x3xf32> to vector<1024x3xf32>
    %mul3A_231 = arith.mulf %mul3A_226, %mul3A_230 : vector<1024x3xf32>
    %get3A_232 = arith.constant 0 : index
    %get3A_233 = arith.constant 0 : index
    %get3A_234 = vector.load %arg10[%get3A_232, %get3A_233] : memref<1x3xf32, #tpu.memory_space<vmem>>, vector<1x3xf32>
    %add3A_235 = vector.broadcast %get3A_234 : vector<1x3xf32> to vector<1024x3xf32>
    %add3A_236 = arith.addf %mul3A_231, %add3A_235 : vector<1024x3xf32>
    %get3A_237 = arith.constant 0 : index
    %get3A_238 = arith.constant 0 : index
    %get3A_239 = vector.load %arg11[%get3A_237, %get3A_238] : memref<128x256xf32, #tpu.memory_space<vmem>>, vector<128x256xf32>
    %dot_general3A = arith.constant dense<0.000000e+00> : vector<1024x256xf32>
    %dot_general3A_240 = tpu.matmul %add3A_222, %get3A_239, %dot_general3A {dimension_numbers = #tpu.dot_dimension_numbers<[1], [0], [0], [1], [0, 0, 1, 1], [], []>, transpose_lhs_hint = false} : vector<1024x128xf32>, vector<128x256xf32>, vector<1024x256xf32> -> vector<1024x256xf32>
    %get3A_241 = arith.constant 0 : index
    %get3A_242 = arith.constant 0 : index
    %get3A_243 = vector.load %arg12[%get3A_241, %get3A_242] : memref<3x256xf32, #tpu.memory_space<vmem>>, vector<3x256xf32>
    %dot_general3A_244 = arith.constant dense<0.000000e+00> : vector<1024x256xf32>
    %dot_general3A_245 = tpu.matmul %add3A_236, %get3A_243, %dot_general3A_244 {dimension_numbers = #tpu.dot_dimension_numbers<[1], [0], [0], [1], [0, 0, 1, 1], [], []>, transpose_lhs_hint = false} : vector<1024x3xf32>, vector<3x256xf32>, vector<1024x256xf32> -> vector<1024x256xf32>
    %add3A_246 = arith.addf %dot_general3A_240, %dot_general3A_245 : vector<1024x256xf32>
    %get3A_247 = arith.constant 0 : index
    %get3A_248 = arith.constant 0 : index
    %get3A_249 = vector.load %arg13[%get3A_247, %get3A_248] : memref<1x256xf32, #tpu.memory_space<vmem>>, vector<1x256xf32>
    %add3A_250 = vector.broadcast %get3A_249 : vector<1x256xf32> to vector<1024x256xf32>
    %add3A_251 = arith.addf %add3A_246, %add3A_250 : vector<1024x256xf32>
    %max3A = arith.constant 0.000000e+00 : f32
    %max3A_252 = vector.broadcast %max3A : f32 to vector<1024x256xf32>
    %max3A_253 = arith.maximumf %add3A_251, %max3A_252 : vector<1024x256xf32>
    %reduce_sum3A_254 = arith.constant dense<0.000000e+00> : vector<1024xf32>
    %reduce_sum3A_255 = vector.multi_reduction <add>, %max3A_253, %reduce_sum3A_254 [1] : vector<1024x256xf32> to vector<1024xf32>
    %broadcast_in_dim3A_256 = vector.shape_cast %reduce_sum3A_255 : vector<1024xf32> to vector<1024x1xf32>
    %div3A_257 = arith.constant 2.560000e+02 : f32
    %div3A_258 = vector.broadcast %div3A_257 : f32 to vector<1024x1xf32>
    %div3A_259 = arith.divf %broadcast_in_dim3A_256, %div3A_258 : vector<1024x1xf32>
    %mul3A_260 = arith.mulf %max3A_253, %max3A_253 : vector<1024x256xf32>
    %reduce_sum3A_261 = arith.constant dense<0.000000e+00> : vector<1024xf32>
    %reduce_sum3A_262 = vector.multi_reduction <add>, %mul3A_260, %reduce_sum3A_261 [1] : vector<1024x256xf32> to vector<1024xf32>
    %broadcast_in_dim3A_263 = vector.shape_cast %reduce_sum3A_262 : vector<1024xf32> to vector<1024x1xf32>
    %div3A_264 = arith.constant 2.560000e+02 : f32
    %div3A_265 = vector.broadcast %div3A_264 : f32 to vector<1024x1xf32>
    %div3A_266 = arith.divf %broadcast_in_dim3A_263, %div3A_265 : vector<1024x1xf32>
    %mul3A_267 = arith.mulf %div3A_259, %div3A_259 : vector<1024x1xf32>
    %sub3A_268 = arith.subf %div3A_266, %mul3A_267 : vector<1024x1xf32>
    %sub3A_269 = vector.broadcast %div3A_259 : vector<1024x1xf32> to vector<1024x256xf32>
    %sub3A_270 = arith.subf %max3A_253, %sub3A_269 : vector<1024x256xf32>
    %add3A_271 = arith.constant 9.99999974E-6 : f32
    %add3A_272 = vector.broadcast %add3A_271 : f32 to vector<1024x1xf32>
    %add3A_273 = arith.addf %sub3A_268, %add3A_272 : vector<1024x1xf32>
    %rsqrt3A_274 = math.rsqrt %add3A_273 : vector<1024x1xf32>
    %mul3A_275 = vector.broadcast %rsqrt3A_274 : vector<1024x1xf32> to vector<1024x256xf32>
    %mul3A_276 = arith.mulf %sub3A_270, %mul3A_275 : vector<1024x256xf32>
    %get3A_277 = arith.constant 0 : index
    %get3A_278 = arith.constant 0 : index
    %get3A_279 = vector.load %arg14[%get3A_277, %get3A_278] : memref<1x256xf32, #tpu.memory_space<vmem>>, vector<1x256xf32>
    %mul3A_280 = vector.broadcast %get3A_279 : vector<1x256xf32> to vector<1024x256xf32>
    %mul3A_281 = arith.mulf %mul3A_276, %mul3A_280 : vector<1024x256xf32>
    %get3A_282 = arith.constant 0 : index
    %get3A_283 = arith.constant 0 : index
    %get3A_284 = vector.load %arg15[%get3A_282, %get3A_283] : memref<1x256xf32, #tpu.memory_space<vmem>>, vector<1x256xf32>
    %add3A_285 = vector.broadcast %get3A_284 : vector<1x256xf32> to vector<1024x256xf32>
    %add3A_286 = arith.addf %mul3A_281, %add3A_285 : vector<1024x256xf32>
    %get3A_287 = arith.constant 0 : index
    %get3A_288 = arith.constant 0 : index
    %get3A_289 = vector.load %arg16[%get3A_287, %get3A_288] : memref<256x128xf32, #tpu.memory_space<vmem>>, vector<256x128xf32>
    %dot_general3A_290 = arith.constant dense<0.000000e+00> : vector<1024x128xf32>
    %dot_general3A_291 = tpu.matmul %add3A_286, %get3A_289, %dot_general3A_290 {dimension_numbers = #tpu.dot_dimension_numbers<[1], [0], [0], [1], [0, 0, 1, 1], [], []>, transpose_lhs_hint = false} : vector<1024x256xf32>, vector<256x128xf32>, vector<1024x128xf32> -> vector<1024x128xf32>
    %get3A_292 = arith.constant 0 : index
    %get3A_293 = arith.constant 0 : index
    %get3A_294 = vector.load %arg17[%get3A_292, %get3A_293] : memref<1x128xf32, #tpu.memory_space<vmem>>, vector<1x128xf32>
    %add3A_295 = vector.broadcast %get3A_294 : vector<1x128xf32> to vector<1024x128xf32>
    %add3A_296 = arith.addf %dot_general3A_291, %add3A_295 : vector<1024x128xf32>
    %mul3A_297 = arith.mulf %add3A_296, %add3A_296 : vector<1024x128xf32>
    %reduce_sum3A_298 = arith.constant dense<0.000000e+00> : vector<1024xf32>
    %reduce_sum3A_299 = vector.multi_reduction <add>, %mul3A_297, %reduce_sum3A_298 [1] : vector<1024x128xf32> to vector<1024xf32>
    %broadcast_in_dim3A_300 = vector.shape_cast %reduce_sum3A_299 : vector<1024xf32> to vector<1024x1xf32>
    %sqrt3A = math.sqrt %broadcast_in_dim3A_300 : vector<1024x1xf32>
    %max3A_301 = arith.constant 9.99999993E-9 : f32
    %max3A_302 = vector.broadcast %max3A_301 : f32 to vector<1024x1xf32>
    %max3A_303 = arith.maximumf %sqrt3A, %max3A_302 : vector<1024x1xf32>
    %div3A_304 = vector.broadcast %max3A_303 : vector<1024x1xf32> to vector<1024x128xf32>
    %div3A_305 = arith.divf %add3A_296, %div3A_304 : vector<1024x128xf32>
    %swap3A = arith.constant 0 : index
    %swap3A_306 = arith.constant 0 : index
    %swap3A_307 = vector.load %arg18[%swap3A, %swap3A_306] : memref<1024x128xf32, #tpu.memory_space<vmem>>, vector<1024x128xf32>
    tpu.vector_store %arg18[%swap3A, %swap3A_306], %div3A_305 {strides = array<i32>} : memref<1024x128xf32, #tpu.memory_space<vmem>>, vector<1024x128xf32>,
    return
  }
  func.func @transform_0(%arg0: i32) -> (i32, i32) {
    %c0_i32 = arith.constant 0 : i32
    %c0_i32_0 = arith.constant 0 : i32
    return %arg0, %c0_i32 : i32, i32
  }
  func.func @transform_1(%arg0: i32) -> (i32, i32) {
    %c0_i32 = arith.constant 0 : i32
    %c0_i32_0 = arith.constant 0 : i32
    return %arg0, %c0_i32 : i32, i32
  }
  func.func @transform_2(%arg0: i32) -> (i32, i32) {
    %c0_i32 = arith.constant 0 : i32
    %c0_i32_0 = arith.constant 0 : i32
    return %arg0, %c0_i32 : i32, i32
  }
  func.func @transform_3(%arg0: i32) -> (i32, i32) {
    %c0_i32 = arith.constant 0 : i32
    %c0_i32_0 = arith.constant 0 : i32
    return %arg0, %c0_i32 : i32, i32
  }
  func.func @transform_4(%arg0: i32) -> (i32, i32) {
    %c0_i32 = arith.constant 0 : i32
    %c0_i32_0 = arith.constant 0 : i32
    return %arg0, %c0_i32 : i32, i32
  }
  func.func @transform_5(%arg0: i32) -> (i32, i32) {
    %c0_i32 = arith.constant 0 : i32
    %c0_i32_0 = arith.constant 0 : i32
    return %arg0, %c0_i32 : i32, i32
  }
  func.func @transform_6(%arg0: i32) -> (i32, i32) {
    %c0_i32 = arith.constant 0 : i32
    %c0_i32_0 = arith.constant 0 : i32
    %c0_i32_1 = arith.constant 0 : i32
    return %c0_i32, %c0_i32_0 : i32, i32
  }
  func.func @transform_7(%arg0: i32) -> (i32, i32) {
    %c0_i32 = arith.constant 0 : i32
    %c0_i32_0 = arith.constant 0 : i32
    %c0_i32_1 = arith.constant 0 : i32
    return %c0_i32, %c0_i32_0 : i32, i32
  }
  func.func @transform_8(%arg0: i32) -> (i32, i32) {
    %c0_i32 = arith.constant 0 : i32
    %c0_i32_0 = arith.constant 0 : i32
    %c0_i32_1 = arith.constant 0 : i32
    return %c0_i32, %c0_i32_0 : i32, i32
  }
  func.func @transform_9(%arg0: i32) -> (i32, i32) {
    %c0_i32 = arith.constant 0 : i32
    %c0_i32_0 = arith.constant 0 : i32
    %c0_i32_1 = arith.constant 0 : i32
    return %c0_i32, %c0_i32_0 : i32, i32
  }
  func.func @transform_10(%arg0: i32) -> (i32, i32) {
    %c0_i32 = arith.constant 0 : i32
    %c0_i32_0 = arith.constant 0 : i32
    %c0_i32_1 = arith.constant 0 : i32
    return %c0_i32, %c0_i32_0 : i32, i32
  }
  func.func @transform_11(%arg0: i32) -> (i32, i32) {
    %c0_i32 = arith.constant 0 : i32
    %c0_i32_0 = arith.constant 0 : i32
    %c0_i32_1 = arith.constant 0 : i32
    return %c0_i32, %c0_i32_0 : i32, i32
  }
  func.func @transform_12(%arg0: i32) -> (i32, i32) {
    %c0_i32 = arith.constant 0 : i32
    %c0_i32_0 = arith.constant 0 : i32
    %c0_i32_1 = arith.constant 0 : i32
    return %c0_i32, %c0_i32_0 : i32, i32
  }
  func.func @transform_13(%arg0: i32) -> (i32, i32) {
    %c0_i32 = arith.constant 0 : i32
    %c0_i32_0 = arith.constant 0 : i32
    %c0_i32_1 = arith.constant 0 : i32
    return %c0_i32, %c0_i32_0 : i32, i32
  }
  func.func @transform_14(%arg0: i32) -> (i32, i32) {
    %c0_i32 = arith.constant 0 : i32
    %c0_i32_0 = arith.constant 0 : i32
    %c0_i32_1 = arith.constant 0 : i32
    return %c0_i32, %c0_i32_0 : i32, i32
  }
  func.func @transform_15(%arg0: i32) -> (i32, i32) {
    %c0_i32 = arith.constant 0 : i32
    %c0_i32_0 = arith.constant 0 : i32
    %c0_i32_1 = arith.constant 0 : i32
    return %c0_i32, %c0_i32_0 : i32, i32
  }
  func.func @transform_16(%arg0: i32) -> (i32, i32) {
    %c0_i32 = arith.constant 0 : i32
    %c0_i32_0 = arith.constant 0 : i32
    %c0_i32_1 = arith.constant 0 : i32
    return %c0_i32, %c0_i32_0 : i32, i32
  }
  func.func @transform_17(%arg0: i32) -> (i32, i32) {
    %c0_i32 = arith.constant 0 : i32
    %c0_i32_0 = arith.constant 0 : i32
    return %arg0, %c0_i32 : i32, i32
  }
}

</mosaic_0001>

<sc_bundles>
// kernel: kernel.5.cloned.1.call-start
scs
__scs_entry_jumppad:
0x0: {  	(pc) =	sbr.rel $0x88, $3  }
0x1: {  	(tag) =	ssettag $0x0;
	lr =	simm.s32 $0x1  }
0x2: {  	[smem:$0x3F90] =	sst lr;
	_ =	strace $0xD0000000  }
0x3: {  	_ = 	snop  }
0x4: {  	_ = 	snop  }
0x5: {  	_ = 	snop  }
0x6: {  	_ = 	snop  }
0x7: {  	_ = 	snop  }
__scs_overlays_trampoline_lowered:
0x8: {  	[smem:$0x3F9F] =	sst s0  }
0x9: {  	[smem:$0x3FA0] =	sst s1  }
0xa: {  	[smem:$0x3FA1] =	sst s2  }
0xb: {  	[smem:$0x3FA2] =	sst s3  }
0xc: {  	[smem:$0x3FA3] =	sst s4  }
0xd: {  	[smem:$0x3FA4] =	sst s5  }
0xe: {  	[smem:$0x3FA5] =	sst s6  }
0xf: {  	[smem:$0x3FA6] =	sst s7  }
0x10: {  	[smem:$0x3FA7] =	sst s8  }
0x11: {  	[smem:$0x3FA8] =	sst s9;
	s0 =	simm.s32 @!p0 $0x0  }
0x12: {  	s1 =	sld [smem:$0x3F8E];
	s0 =	simm.s32 @p0 $0x1  }
0x13: {  	[smem:$0x3FA9] =	sst s0;
	s0 =	simm.s32 @!p1 $0x0  }
0x14: {  	s2 =	sld [smem:$0x3F8D];
	s0 =	simm.s32 @p1 $0x1  }
0x15: {  	[smem:$0x3FAA] =	sst s0;
	s0 =	simm.s32 @!p2 $0x0  }
0x16: {  	s3 =	sld [smem:$0x3FDB];
	s0 =	simm.s32 @p2 $0x1  }
0x17: {  	s4 =	simm.s32 $0x1BF5;
	[smem:$0x3FAC] =	sst s0  }
0x18: {  	s0 =	sld [smem:$0x3F8F];
	_ =	swait.ge [sflag:s4], $0x0  }
0x19: {  	s7 =	sld [smem:$0x3F90]  }
0x1a: {  	s8 =	sadd.s32 $0xFFFFE003, lr  }
0x1b: {  	s9 =	sadd.s32 $0xFFFFFEF7, lr;
	s5 =	simm.s32 $0xFFFFFFFF;
	p2 =	slt.u32 s8, $0xFFFFF086  }
0x1c: {  	p1 =	slt.u32 s9, $0xF7A;
	s5 =	simm.s32 @!p2 $0x0  }
0x1d: {  	s5 =	simm.s32 @p1 $0x1;
	p0 =	seq.s32 s7, s2  }
0x1e: {  	s7 =	smul.u32 @!p0 $0xF7A, s2;
	p2 =	seq.s32 @!p0 s5, $0x0  }
0x1f: {  	s9 =	smul.u32 $0xF7A, s1;
	s8 =	simm.s32 @!p0 $0x1BF5;
	p2 =	por !p2, p0  }
0x20: {  	[sflag:s8] =	ssyncset.s32 @!p0 $0xFFFFF086;
	s6 =	sadd.s32 @!p0 s3, s7;
	s7 =	simm.s32 @!p0 $0x108  }
0x21: {  	s3 =	sadd.s32 s3, s9;
	s6 =	sadd.s32 @!p0 $0x88, s6;
	s7 =	simm.s32 @p2 $0x1082  }
0x22: {  	[simem:s7], [sflag:s8] =	dma.local @!p0 [hbm:s6], $0xF7A  }
0x23: {  	s9 =	sor.u32 $0xD0000000, s2;
	s6 =	simm.s32 $0x108;
	_ =	swait.ge @!p0 [sflag:s8], $0x0  }
0x24: {  	s3 =	sadd.s32 $0x88, s3;
	s6 =	simm.s32 @!p1 $0x1082;
	[sflag:s4] =	ssyncset.s32 $0xFFFFF086  }
0x25: {  	[simem:s6], [sflag:s4] =	dma.local [hbm:s3], $0xF7A  }
0x26: {  	[smem:$0x3F90] =	sst s1;
	(tag) =	ssettag s2;
	_ =	strace s9  }
0x27: {  	s1 =	sld [smem:$0x3FA0]  }
0x28: {  	s2 =	sld [smem:$0x3FA1]  }
0x29: {  	s4 =	sld [smem:$0x3FA3]  }
0x2a: {  	p0 =	seq.s32 s5, $0x0;
	s5 =	sld [smem:$0x3FA4]  }
0x2b: {  	s6 =	sld [smem:$0x3FA5]  }
0x2c: {  	s7 =	sld [smem:$0x3FA6]  }
0x2d: {  	s3 =	simm.s32 $0x108;
	s8 =	sld [smem:$0x3FA7]  }
0x2e: {  	s3 =	simm.s32 @!p0 $0x1082;
	s9 =	sld [smem:$0x3FA8]  }
0x2f: {  	lr =	sadd.s32 s0, s3;
	s0 =	sld [smem:$0x3F9F]  }
0x30: {  	s3 =	sld [smem:$0x3FA2]  }
0x31: {  	[smem:$0x3FAB] =	sst s10  }
0x32: {  	s10 =	sld [smem:$0x3FA9];
	_ =	sdelay $0x3  }
0x33: {  	p0 =	seq.s32 s10, $0x1;
	s10 =	sld [smem:$0x3FAB];
	_ =	sdelay $0x3  }
0x34: {  	[smem:$0x3FAB] =	sst s10  }
0x35: {  	s10 =	sld [smem:$0x3FAA];
	_ =	sdelay $0x3  }
0x36: {  	p1 =	seq.s32 s10, $0x1;
	s10 =	sld [smem:$0x3FAB];
	_ =	sdelay $0x3  }
0x37: {  	[smem:$0x3FAB] =	sst s10  }
0x38: {  	s10 =	sld [smem:$0x3FAC]  }
0x39: {  	_ = 	snop;
	(pc) =	sbr.ind lr, $3  }
0x3a: {  	_ = 	snop  }
0x3b: {  	_ = 	snop  }
0x3c: {  	p2 =	seq.s32 s10, $0x1;
	s10 =	sld [smem:$0x3FAB]  }
0x3d: {  	_ =	shalt  }
0x3e: {  	_ =	shalt  }
0x3f: {  	_ =	shalt  }
0x40: {  	_ =	shalt  }
0x41: {  	_ =	shalt  }
0x42: {  	_ =	shalt  }
0x43: {  	_ =	shalt  }
0x44: {  	_ =	shalt  }
0x45: {  	_ =	shalt  }
0x46: {  	_ =	shalt  }
0x47: {  	_ =	shalt  }
0x48: {  	_ =	shalt  }
0x49: {  	_ =	shalt  }
0x4a: {  	_ =	shalt  }
0x4b: {  	_ =	shalt  }
0x4c: {  	_ =	shalt  }
0x4d: {  	_ =	shalt  }
0x4e: {  	_ =	shalt  }
0x4f: {  	_ =	shalt  }
0x50: {  	_ =	shalt  }
0x51: {  	_ =	shalt  }
0x52: {  	_ =	shalt  }
0x53: {  	_ =	shalt  }
0x54: {  	_ =	shalt  }
0x55: {  	_ =	shalt  }
0x56: {  	_ =	shalt  }
0x57: {  	_ =	shalt  }
0x58: {  	_ =	shalt  }
0x59: {  	_ =	shalt  }
0x5a: {  	_ =	shalt  }
0x5b: {  	_ =	shalt  }
0x5c: {  	_ =	shalt  }
0x5d: {  	_ =	shalt  }
0x5e: {  	_ =	shalt  }
0x5f: {  	_ =	shalt  }
0x60: {  	_ =	shalt  }
0x61: {  	_ =	shalt  }
0x62: {  	_ =	shalt  }
0x63: {  	_ =	shalt  }
0x64: {  	_ =	shalt  }
0x65: {  	_ =	shalt  }
0x66: {  	_ =	shalt  }
0x67: {  	_ =	shalt  }
0x68: {  	_ =	shalt  }
0x69: {  	_ =	shalt  }
0x6a: {  	_ =	shalt  }
0x6b: {  	_ =	shalt  }
0x6c: {  	_ =	shalt  }
0x6d: {  	_ =	shalt  }
0x6e: {  	_ =	shalt  }
0x6f: {  	_ =	shalt  }
0x70: {  	_ =	shalt  }
0x71: {  	_ =	shalt  }
0x72: {  	_ =	shalt  }
0x73: {  	_ =	shalt  }
0x74: {  	_ =	shalt  }
0x75: {  	_ =	shalt  }
0x76: {  	_ =	shalt  }
0x77: {  	_ =	shalt  }
0x78: {  	_ =	shalt  }
0x79: {  	_ =	shalt  }
0x7a: {  	_ =	shalt  }
0x7b: {  	_ =	shalt  }
0x7c: {  	_ =	shalt  }
0x7d: {  	_ =	shalt  }
0x7e: {  	_ =	shalt  }
0x7f: {  	_ =	shalt  }
0x80: {  	_ =	shalt  }
0x81: {  	_ =	shalt  }
0x82: {  	_ =	shalt  }
0x83: {  	_ =	shalt  }
0x84: {  	_ =	shalt  }
0x85: {  	_ =	shalt  }
0x86: {  	_ =	shalt  }
0x87: {  	_ =	shalt  }
.Lfunc_end0:
.L_simem_size_0:
called_computation_lowered:
.L_overlay_start_0:
0x88: {  	s2 =	sld [smem:$0x3FD9]  }
0x89: {  	s3 =	sld [smem:$0x3FFE];
	_ =	sdelay $0x1  }
0x8a: {  	s1 =	srdreg.scid  }
0x8b: {  	s0 =	sand.u32 $0x1, s1  }
0x8c: {  	s17 =	sshll.u32 s0, $0xA;
	s2 =	sadd.s32 s3, s2  }
0x8d: {  	s2 =	sadd.s32 s2, s17  }
0x8e: {  	[smem:$0x3FB7] =	sst s2  }
0x8f: {  	_ = 	snop  }
0x90: {  	s2 =	sld [smem:$0x3FD0];
	(tm) =	ssettm $0x1  }
0x91: {  	s18 =	sld [smem:$0x3FFB];
	_ =	sdelay $0x3  }
0x92: {  	_ =	strace s18  }
0x93: {  	s3 =	sld [smem:$0x3FFC];
	_ =	sdelay $0x3  }
0x94: {  	_ =	strace s3  }
0x95: {  	s3 =	sld [smem:$0x3FFD];
	_ =	sdelay $0x3  }
0x96: {  	_ =	strace s3  }
0x97: {  	_ =	strace $0x8FFFFFFF  }
0x98: {  	s19 =	sld [smem:$0x3FDB];
	_ =	sdelay $0x1  }
0x99: {  	s4 =	simm.s32 $_scs_section_size  }
0x9a: {  	s5 =	simm.s32 $_size__tile_overlayer_lowered;
	s6 =	simm.s32 $_tile_overlayer_lowered  }
0x9b: {  	s22 =	simm.s32 $0x1BFF;
	s21 =	sshll.u32 s6, $0x1;
	s3 =	sadd.s32 s4, s19  }
0x9c: {  	s7 =	simm.s32 $0x0;
	s20 =	sshll.u32 s5, $0x1;
	s5 =	sadd.s32 s21, s3  }
0x9d: {  	[timem:s7], [sflag:s22] =	dma.local [hbm:s5], s20  }
0x9e: {  	_ =	swait.ge [sflag:s22], s20  }
0x9f: {  	s4 =	ssub.s32 $0x0, s20;
	[sflag:s22] =	ssyncset.done $0x0  }
0xa0: {  	[sflag:s22] =	ssyncadd.s32 s4;
	_ =	sdelay $0x1  }
0xa1: {  	s23 =	simm.s32 $0x1B8B  }
0xa2: {  	_ =	swait.ge [sflag:s23], $0x1  }
0xa3: {  	[sflag:s23] =	ssyncset.done $0x0  }
0xa4: {  	s25 =	simm.s32 $0x1B8E;
	s24 =	sld [smem:$0x3FFE];
	[sflag:s23] =	ssyncadd.s32 $0xFFFFFFFF  }
0xa5: {  	s26 =	simm.s32 $execute0_lowered;
	[smem:$0x3FD2] =	sst s25  }
0xa6: {  	s5 =	sshll.u32 s26, $0x1;
	_ =	strace $0x80000046;
	[dreg:$0x1] =	wrdreg $0xFFFFFFFF  }
0xa7: {  	s28 =	simm.s32 $_size_execute0_lowered;
	s3 =	sadd.s32 s3, s5;
	[dreg:$0x0] =	wrdreg $0x0  }
0xa8: {  	s5 =	sshll.u32 s28, $0x1;
	[dreg:$0x2] =	wrdreg s3  }
0xa9: {  	[dreg:$0x3] =	wrdreg s5  }
0xaa: {  	[dreg:$0x4] =	wrdreg $0xC0  }
0xab: {  	_ =	task [dreg:s7], $0x5FFFF  }
0xac: {  	[dreg:$0x1] =	wrdreg $0xFFFFFFFF  }
0xad: {  	[dreg:$0x0] =	wrdreg $0x60  }
0xae: {  	[dreg:$0x2] =	wrdreg s24  }
0xaf: {  	[dreg:$0x3] =	wrdreg s2  }
0xb0: {  	[dreg:$0x4] =	wrdreg $0x9  }
0xb1: {  	_ =	task.clear_ibuf [dreg:s7], $0x5FFFF;
	_ =	strace $0x90000046  }
0xb2: {  	s29 =	simm.s32 $0x9;
	_ =	strace $0x80000048  }
0xb3: {  	_ =	swait.ge [sflag:s29], $0x1  }
0xb4: {  	[sflag:s29] =	ssyncadd.s32 $0xFFFFFFFF  }
0xb5: {  	_ =	strace $0x90000048  }
0xb6: {  	_ =	sfence  }
0xb7: {  	s30 =	sld [smem:$0x0];
	_ =	sdelay $0x2  }
0xb8: {  	s31 =	sshll.u32 s1, $0xD;
	s1 =	sshrl.u32 s1, $0x2  }
0xb9: {  	s3 =	sand.u32 $0x4000, s31;
	s1 =	sadd.s32 s1, s30  }
0xba: {  	s0 =	sor.u32 s3, s0;
	s1 =	sshll.u32 s1, $0x11  }
0xbb: {  	s0 =	sor.u32 s1, s0  }
0xbc: {  	s0 =	sadd.s32 $0x8F2B, s0  }
0xbd: {  	[sflag:s0] =	ssyncadd.remote.s32 $0x1  }
0xbe: {  	_ =	sfence.sel $0xFFFF  }
0xbf: {  	[dreg:$0x0] =	wrdreg $0xFFFFFFFF;
	(pc) =	sbr.abs _section_cstart, $3  }
0xc0: {  	[dreg:$0x1] =	wrdreg $0xFFFFFFFF  }
0xc1: {  	_ =	task.clear_ibuf [dreg:s7], $0x2FFFF;
	_ =	strace $0x9FFFFFFF  }
0xc2: {  	(tm) =	ssettm $0x7FFFFFFF  }
0xc3: {  	_ =	shalt  }
tec
execute0_lowered:
.L_overlay_start_1:
0x0: {  	(tag) =	ssettag $0x1  }
0x1: {  	s0 =	srdreg.scid;
	s1 =	rddreg [dreg:$0x0]  }
0x2: {  	s2 =	stileid.u32;
	s4 =	rddreg [dreg:$0x1]  }
0x3: {  	s29 =	simm.s32 $0x200;
	s30 =	simm.s32 $0x400;
	s31 =	simm.s32 $0x600  }
0x4: {  	s28 =	simm.s32 $0x680;
	p0 =	por $0x0, $0x0;
	s2 =	sshll.u32 s2, $0xA  }
0x5: {  	s0 =	sand.u32 $0x1, s0;
	s9 =	sadd.s32 $0x18CE00, s1;
	s14 =	sadd.s32 $0x1CCE00, s1  }
0x6: {  	s11 =	sadd.s32 $0x20CE00, s1;
	s3 =	sshll.u32 s0, $0x9;
	s0 =	ssub.s32 $0x2, s0  }
0x7: {  	s3 =	sor.u32 s3, s2;
	s2 =	simm.s32 $0x0;
	s22 =	sshrl.u32 s0, $0x1  }
0x8: {  	s5 =	sshrl.u32 s3, $0x3;
	[smem:$0x7FF] =	sst s2;
	s8 =	sshll.u32 s3, $0x4  }
0x9: {  	s0 =	ssub.s32 s0, s22;
	s22 =	simm.s32 $0x300;
	s5 =	sadd.s32 s5, s1  }
0xa: {  	_ =	strace $0x80000047;
	s3 =	sadd.s32 s4, s8;
	s15 =	sadd.s32 s9, s8  }
0xb: {  	s16 =	sadd.s32 s14, s8;
	s17 =	sadd.s32 s11, s8;
	[dreg:$0x7] =	wrdreg s3  }
0xc: {  	s10 =	sor.u32 $0x800, s8;
	s25 =	sor.u32 $0x1800, s8;
	[dreg:$0x8] =	wrdreg s15  }
0xd: {  	s0 =	smax.u32 s0, $0x1;
	s6 =	sadd.s32 $0x3600, s5;
	[dreg:$0x9] =	wrdreg s16  }
0xe: {  	s12 =	sadd.s32 $0x2E00, s5;
	s13 =	sadd.s32 $0x4600, s5;
	[dreg:$0xa] =	wrdreg s17  }
0xf: {  	s5 =	sadd.s32 $0x3E00, s5;
	s3 =	sadd.s32 $0x4E00, s1;
	[dreg:$0x3] =	wrdreg s6  }
0x10: {  	s7 =	sadd.s32 s4, s10;
	s18 =	sadd.s32 s14, s10;
	[dreg:$0x4] =	wrdreg s12  }
0x11: {  	s19 =	sadd.s32 s11, s10;
	s26 =	sadd.s32 s4, s25;
	[dreg:$0x5] =	wrdreg s13  }
0x12: {  	s16 =	simm.s32 $0x80;
	s15 =	simm.s32 $0x1;
	[dreg:$0x6] =	wrdreg s5  }
0x13: {  	p1 =	sne.s32 s0, $0x1;
	s17 =	simm.s32 $0x180;
	[dreg:$0xb] =	wrdreg s7  }
0x14: {  	s6 =	sadd.s32 $0x66E00, s1;
	s12 =	sadd.s32 s9, s10;
	[dreg:$0xd] =	wrdreg s18  }
0x15: {  	s7 =	sadd.s32 $0xC8E00, s1;
	s13 =	sor.u32 $0x1000, s8;
	[dreg:$0xe] =	wrdreg s19  }
0x16: {  	s10 =	sadd.s32 $0x12AE00, s1;
	[dreg:$0x13] =	wrdreg s26;
	s8 =	sadd.s32 s14, s25  }
0x17: {  	s5 =	sadd.s32 s11, s25;
	s26 =	simm.s32 $0x480;
	s1 =	sadd.s32 $0xFFFFFFFF, s0  }
0x18: {  	s18 =	simm.s32 $0x380;
	s19 =	simm.s32 $0x580;
	[dreg:$0xc] =	wrdreg s12  }
0x19: {  	s20 =	sadd.s32 s4, s13;
	s21 =	sadd.s32 s9, s13;
	s23 =	sadd.s32 s14, s13  }
0x1a: {  	s24 =	sadd.s32 s11, s13;
	s9 =	sadd.s32 s9, s25;
	s0 =	rddreg [dreg:$0x3]  }
.Ltmp0:
0x1b: {  	s4 =	simm.s32 $0x2;
	[dreg:$0xf] =	wrdreg s20;
	(pc) =	sbr.rel @!p1 .LBB2_3-.Ltmp0, $4  }
0x1c: {  	s14 =	simm.s32 $0x800;
	s13 =	simm.s32 $0x4800;
	[dreg:$0x10] =	wrdreg s21  }
0x1d: {  	s12 =	simm.s32 $0x8800;
	s11 =	simm.s32 $0xC800;
	[dreg:$0x11] =	wrdreg s23  }
0x1e: {  	s25 =	simm.s32 $0x280;
	[dreg:$0x12] =	wrdreg s24;
	s21 =	simm.s32 $0x100  }
0x1f: {  	s23 =	simm.s32 $0x500;
	s24 =	simm.s32 $0x700;
	s20 =	simm.s32 $0x780  }
0x20: {  	[tilespmem:s2], [sflag:$0x2] =	stream.linear.gather [hbm4b:s0+s2], $0x200, $0x38;
	[tilespmem:$0x10800] =	vst v63  }
0x21: {  	_ =	swait.ge [sflag:s4], $0x200  }
0x22: {  	[sflag:s4] =	ssyncset.done $0x0  }
0x23: {  	s0 =	rddreg [dreg:$0x4];
	[sflag:s4] =	ssyncadd.s32 $0xFFFFFE00  }
0x24: {  	[tilespmem:s29], [sflag:$0x2] =	stream.linear.gather [hbm4b:s0+s2], $0x200, $0x38;
	[tilespmem:$0x10800] =	vst v63  }
0x25: {  	_ =	swait.ge [sflag:s4], $0x200  }
0x26: {  	[sflag:s4] =	ssyncset.done $0x0  }
0x27: {  	s0 =	rddreg [dreg:$0x5];
	[sflag:s4] =	ssyncadd.s32 $0xFFFFFE00  }
0x28: {  	[tilespmem:s30], [sflag:$0x2] =	stream.linear.gather [hbm4b:s0+s2], $0x200, $0x38;
	[tilespmem:$0x10800] =	vst v63  }
0x29: {  	_ =	swait.ge [sflag:s4], $0x200  }
0x2a: {  	[sflag:s4] =	ssyncset.done $0x0  }
0x2b: {  	s0 =	rddreg [dreg:$0x6];
	[sflag:s4] =	ssyncadd.s32 $0xFFFFFE00  }
0x2c: {  	[tilespmem:s31], [sflag:$0x2] =	stream.linear.gather [hbm4b:s0+s2], $0x200, $0x38;
	[tilespmem:$0x10800] =	vst v63  }
0x2d: {  	_ =	swait.ge [sflag:s4], $0x200  }
0x2e: {  	[sflag:s4] =	ssyncset.done $0x0  }
0x2f: {  	[sflag:s4] =	ssyncadd.s32 $0xFFFFFE00  }
0x30: {  	[tilespmem:s14], [sflag:$0x1] =	stream.indirect.gather [hbm4b:s3+s16], $0x80, s2, s16, $0xb8;
	[tilespmem:$0x10800] =	vst v63  }
0x31: {  	_ = 	snop  }
0x32: {  	[tilespmem:s13], [sflag:$0x1] =	stream.indirect.gather [hbm4b:s6+s16], $0x80, s29, s16, $0xb8;
	[tilespmem:$0x10800] =	vst v63  }
0x33: {  	_ = 	snop  }
0x34: {  	[tilespmem:s12], [sflag:$0x1] =	stream.indirect.gather [hbm4b:s7+s16], $0x80, s30, s16, $0xb8;
	[tilespmem:$0x10800] =	vst v63  }
0x35: {  	_ = 	snop  }
0x36: {  	[tilespmem:s11], [sflag:$0x1] =	stream.indirect.gather [hbm4b:s10+s16], $0x80, s31, s16, $0xb8;
	[tilespmem:$0x10800] =	vst v63  }
0x37: {  	_ =	swait.ge [sflag:s15], $0x4000  }
0x38: {  	[sflag:s15] =	ssyncset.done $0x0  }
0x39: {  	[sflag:s15] =	ssyncadd.s32 $0xFFFFC000  }
0x3a: {  	_ =	swait.ge [sflag:s15], $0x4000  }
0x3b: {  	[sflag:s15] =	ssyncset.done $0x0  }
0x3c: {  	[sflag:s15] =	ssyncadd.s32 $0xFFFFC000  }
0x3d: {  	_ =	swait.ge [sflag:s15], $0x4000  }
0x3e: {  	[sflag:s15] =	ssyncset.done $0x0  }
0x3f: {  	[sflag:s15] =	ssyncadd.s32 $0xFFFFC000  }
0x40: {  	_ =	swait.ge [sflag:s15], $0x4000  }
0x41: {  	[sflag:s15] =	ssyncset.done $0x0  }
0x42: {  	s0 =	rddreg [dreg:$0x7];
	[sflag:s15] =	ssyncadd.s32 $0xFFFFC000  }
0x43: {  	[hbm4b:s0+s2] =	stream.linear.scatter [tilespmem:s14], [sflag:$0x2], $0x4000, $0x38;
	[tilespmem:$0x10800] =	vst v63  }
0x44: {  	_ =	swait.ge [sflag:s4], $0x4000  }
0x45: {  	[sflag:s4] =	ssyncset.done $0x0  }
0x46: {  	s0 =	rddreg [dreg:$0x8];
	[sflag:s4] =	ssyncadd.s32 $0xFFFFC000  }
0x47: {  	[hbm4b:s0+s2] =	stream.linear.scatter [tilespmem:s13], [sflag:$0x2], $0x4000, $0x38;
	[tilespmem:$0x10800] =	vst v63  }
0x48: {  	_ =	swait.ge [sflag:s4], $0x4000  }
0x49: {  	[sflag:s4] =	ssyncset.done $0x0  }
0x4a: {  	s0 =	rddreg [dreg:$0x9];
	[sflag:s4] =	ssyncadd.s32 $0xFFFFC000  }
0x4b: {  	[hbm4b:s0+s2] =	stream.linear.scatter [tilespmem:s12], [sflag:$0x2], $0x4000, $0x38;
	[tilespmem:$0x10800] =	vst v63  }
0x4c: {  	_ =	swait.ge [sflag:s4], $0x4000  }
0x4d: {  	[sflag:s4] =	ssyncset.done $0x0  }
0x4e: {  	s0 =	rddreg [dreg:$0xa];
	[sflag:s4] =	ssyncadd.s32 $0xFFFFC000  }
0x4f: {  	[hbm4b:s0+s2] =	stream.linear.scatter [tilespmem:s11], [sflag:$0x2], $0x4000, $0x38;
	[tilespmem:$0x10800] =	vst v63  }
0x50: {  	_ =	swait.ge [sflag:s4], $0x4000  }
0x51: {  	[sflag:s4] =	ssyncset.done $0x0  }
0x52: {  	[sflag:s4] =	ssyncadd.s32 $0xFFFFC000  }
0x53: {  	[tilespmem:s14], [sflag:$0x1] =	stream.indirect.gather [hbm4b:s3+s16], $0x80, s16, s16, $0xb8;
	[tilespmem:$0x10800] =	vst v63  }
0x54: {  	_ = 	snop  }
0x55: {  	[tilespmem:s13], [sflag:$0x1] =	stream.indirect.gather [hbm4b:s6+s16], $0x80, s25, s16, $0xb8;
	[tilespmem:$0x10800] =	vst v63  }
0x56: {  	_ = 	snop  }
0x57: {  	[tilespmem:s12], [sflag:$0x1] =	stream.indirect.gather [hbm4b:s7+s16], $0x80, s26, s16, $0xb8;
	[tilespmem:$0x10800] =	vst v63  }
0x58: {  	_ = 	snop  }
0x59: {  	[tilespmem:s11], [sflag:$0x1] =	stream.indirect.gather [hbm4b:s10+s16], $0x80, s28, s16, $0xb8;
	[tilespmem:$0x10800] =	vst v63  }
0x5a: {  	_ =	swait.ge [sflag:s15], $0x4000  }
0x5b: {  	[sflag:s15] =	ssyncset.done $0x0  }
0x5c: {  	[sflag:s15] =	ssyncadd.s32 $0xFFFFC000  }
0x5d: {  	_ =	swait.ge [sflag:s15], $0x4000  }
0x5e: {  	[sflag:s15] =	ssyncset.done $0x0  }
0x5f: {  	[sflag:s15] =	ssyncadd.s32 $0xFFFFC000  }
0x60: {  	_ =	swait.ge [sflag:s15], $0x4000  }
0x61: {  	[sflag:s15] =	ssyncset.done $0x0  }
0x62: {  	[sflag:s15] =	ssyncadd.s32 $0xFFFFC000  }
0x63: {  	_ =	swait.ge [sflag:s15], $0x4000  }
0x64: {  	[sflag:s15] =	ssyncset.done $0x0  }
0x65: {  	s0 =	rddreg [dreg:$0xb];
	[sflag:s15] =	ssyncadd.s32 $0xFFFFC000  }
0x66: {  	[hbm4b:s0+s2] =	stream.linear.scatter [tilespmem:s14], [sflag:$0x2], $0x4000, $0x38;
	[tilespmem:$0x10800] =	vst v63  }
0x67: {  	_ =	swait.ge [sflag:s4], $0x4000  }
0x68: {  	[sflag:s4] =	ssyncset.done $0x0  }
0x69: {  	s0 =	rddreg [dreg:$0xc];
	[sflag:s4] =	ssyncadd.s32 $0xFFFFC000  }
0x6a: {  	[hbm4b:s0+s2] =	stream.linear.scatter [tilespmem:s13], [sflag:$0x2], $0x4000, $0x38;
	[tilespmem:$0x10800] =	vst v63  }
0x6b: {  	_ =	swait.ge [sflag:s4], $0x4000  }
0x6c: {  	[sflag:s4] =	ssyncset.done $0x0  }
0x6d: {  	s0 =	rddreg [dreg:$0xd];
	[sflag:s4] =	ssyncadd.s32 $0xFFFFC000  }
0x6e: {  	[hbm4b:s0+s2] =	stream.linear.scatter [tilespmem:s12], [sflag:$0x2], $0x4000, $0x38;
	[tilespmem:$0x10800] =	vst v63  }
0x6f: {  	_ =	swait.ge [sflag:s4], $0x4000  }
0x70: {  	[sflag:s4] =	ssyncset.done $0x0  }
0x71: {  	s0 =	rddreg [dreg:$0xe];
	[sflag:s4] =	ssyncadd.s32 $0xFFFFC000  }
0x72: {  	[hbm4b:s0+s2] =	stream.linear.scatter [tilespmem:s11], [sflag:$0x2], $0x4000, $0x38;
	[tilespmem:$0x10800] =	vst v63  }
0x73: {  	_ =	swait.ge [sflag:s4], $0x4000  }
0x74: {  	[sflag:s4] =	ssyncset.done $0x0  }
0x75: {  	[sflag:s4] =	ssyncadd.s32 $0xFFFFC000  }
0x76: {  	[tilespmem:s14], [sflag:$0x1] =	stream.indirect.gather [hbm4b:s3+s16], $0x80, s21, s16, $0xb8;
	[tilespmem:$0x10800] =	vst v63  }
0x77: {  	_ = 	snop  }
0x78: {  	[tilespmem:s13], [sflag:$0x1] =	stream.indirect.gather [hbm4b:s6+s16], $0x80, s22, s16, $0xb8;
	[tilespmem:$0x10800] =	vst v63  }
0x79: {  	_ = 	snop  }
0x7a: {  	[tilespmem:s12], [sflag:$0x1] =	stream.indirect.gather [hbm4b:s7+s16], $0x80, s23, s16, $0xb8;
	[tilespmem:$0x10800] =	vst v63  }
0x7b: {  	_ = 	snop  }
0x7c: {  	[tilespmem:s11], [sflag:$0x1] =	stream.indirect.gather [hbm4b:s10+s16], $0x80, s24, s16, $0xb8;
	[tilespmem:$0x10800] =	vst v63  }
0x7d: {  	_ =	swait.ge [sflag:s15], $0x4000  }
0x7e: {  	[sflag:s15] =	ssyncset.done $0x0  }
0x7f: {  	[sflag:s15] =	ssyncadd.s32 $0xFFFFC000  }
0x80: {  	_ =	swait.ge [sflag:s15], $0x4000  }
0x81: {  	[sflag:s15] =	ssyncset.done $0x0  }
0x82: {  	[sflag:s15] =	ssyncadd.s32 $0xFFFFC000  }
0x83: {  	_ =	swait.ge [sflag:s15], $0x4000  }
0x84: {  	[sflag:s15] =	ssyncset.done $0x0  }
0x85: {  	[sflag:s15] =	ssyncadd.s32 $0xFFFFC000  }
0x86: {  	_ =	swait.ge [sflag:s15], $0x4000  }
0x87: {  	[sflag:s15] =	ssyncset.done $0x0  }
0x88: {  	s0 =	rddreg [dreg:$0xf];
	[sflag:s15] =	ssyncadd.s32 $0xFFFFC000  }
0x89: {  	[hbm4b:s0+s2] =	stream.linear.scatter [tilespmem:s14], [sflag:$0x2], $0x4000, $0x38;
	[tilespmem:$0x10800] =	vst v63  }
0x8a: {  	_ =	swait.ge [sflag:s4], $0x4000  }
0x8b: {  	[sflag:s4] =	ssyncset.done $0x0  }
0x8c: {  	s0 =	rddreg [dreg:$0x10];
	[sflag:s4] =	ssyncadd.s32 $0xFFFFC000  }
0x8d: {  	[hbm4b:s0+s2] =	stream.linear.scatter [tilespmem:s13], [sflag:$0x2], $0x4000, $0x38;
	[tilespmem:$0x10800] =	vst v63  }
0x8e: {  	_ =	swait.ge [sflag:s4], $0x4000  }
0x8f: {  	[sflag:s4] =	ssyncset.done $0x0  }
0x90: {  	s0 =	rddreg [dreg:$0x11];
	[sflag:s4] =	ssyncadd.s32 $0xFFFFC000  }
0x91: {  	[hbm4b:s0+s2] =	stream.linear.scatter [tilespmem:s12], [sflag:$0x2], $0x4000, $0x38;
	[tilespmem:$0x10800] =	vst v63  }
0x92: {  	_ =	swait.ge [sflag:s4], $0x4000  }
0x93: {  	[sflag:s4] =	ssyncset.done $0x0  }
0x94: {  	s0 =	rddreg [dreg:$0x12];
	[sflag:s4] =	ssyncadd.s32 $0xFFFFC000  }
0x95: {  	[hbm4b:s0+s2] =	stream.linear.scatter [tilespmem:s11], [sflag:$0x2], $0x4000, $0x38;
	[tilespmem:$0x10800] =	vst v63  }
0x96: {  	_ =	swait.ge [sflag:s4], $0x4000  }
0x97: {  	[sflag:s4] =	ssyncset.done $0x0  }
0x98: {  	[sflag:s4] =	ssyncadd.s32 $0xFFFFC000  }
0x99: {  	[tilespmem:s14], [sflag:$0x1] =	stream.indirect.gather [hbm4b:s3+s16], $0x80, s17, s16, $0xb8;
	[tilespmem:$0x10800] =	vst v63  }
0x9a: {  	_ = 	snop  }
0x9b: {  	[tilespmem:s13], [sflag:$0x1] =	stream.indirect.gather [hbm4b:s6+s16], $0x80, s18, s16, $0xb8;
	[tilespmem:$0x10800] =	vst v63  }
0x9c: {  	_ = 	snop  }
0x9d: {  	[tilespmem:s12], [sflag:$0x1] =	stream.indirect.gather [hbm4b:s7+s16], $0x80, s19, s16, $0xb8;
	[tilespmem:$0x10800] =	vst v63  }
0x9e: {  	_ = 	snop  }
0x9f: {  	[tilespmem:s11], [sflag:$0x1] =	stream.indirect.gather [hbm4b:s10+s16], $0x80, s20, s16, $0xb8;
	[tilespmem:$0x10800] =	vst v63  }
0xa0: {  	_ =	swait.ge [sflag:s15], $0x4000  }
0xa1: {  	[sflag:s15] =	ssyncset.done $0x0  }
0xa2: {  	[sflag:s15] =	ssyncadd.s32 $0xFFFFC000  }
0xa3: {  	_ =	swait.ge [sflag:s15], $0x4000  }
0xa4: {  	[sflag:s15] =	ssyncset.done $0x0  }
0xa5: {  	[sflag:s15] =	ssyncadd.s32 $0xFFFFC000  }
0xa6: {  	_ =	swait.ge [sflag:s15], $0x4000  }
0xa7: {  	[sflag:s15] =	ssyncset.done $0x0  }
0xa8: {  	[sflag:s15] =	ssyncadd.s32 $0xFFFFC000  }
0xa9: {  	_ =	swait.ge [sflag:s15], $0x4000  }
0xaa: {  	[sflag:s15] =	ssyncset.done $0x0  }
0xab: {  	s0 =	rddreg [dreg:$0x13];
	[sflag:s15] =	ssyncadd.s32 $0xFFFFC000  }
0xac: {  	[hbm4b:s0+s2] =	stream.linear.scatter [tilespmem:s14], [sflag:$0x2], $0x4000, $0x38;
	[tilespmem:$0x10800] =	vst v63  }
0xad: {  	_ =	swait.ge [sflag:s4], $0x4000  }
0xae: {  	[sflag:s4] =	ssyncset.done $0x0  }
0xaf: {  	[sflag:s4] =	ssyncadd.s32 $0xFFFFC000  }
0xb0: {  	[hbm4b:s9+s2] =	stream.linear.scatter [tilespmem:s13], [sflag:$0x2], $0x4000, $0x38;
	[tilespmem:$0x10800] =	vst v63  }
0xb1: {  	_ =	swait.ge [sflag:s4], $0x4000  }
0xb2: {  	[sflag:s4] =	ssyncset.done $0x0  }
0xb3: {  	[sflag:s4] =	ssyncadd.s32 $0xFFFFC000  }
0xb4: {  	[hbm4b:s8+s2] =	stream.linear.scatter [tilespmem:s12], [sflag:$0x2], $0x4000, $0x38;
	[tilespmem:$0x10800] =	vst v63  }
0xb5: {  	p1 =	sne.s32 s1, $0x1;
	_ =	swait.ge [sflag:s4], $0x4000  }
.Ltmp1:
0xb6: {  	[sflag:s4] =	ssyncset.done $0x0;
	(pc) =	sbr.rel @!p1 .LBB2_3-.Ltmp1, $4  }
0xb7: {  	[sflag:s4] =	ssyncadd.s32 $0xFFFFC000  }
0xb8: {  	[hbm4b:s5+s2] =	stream.linear.scatter [tilespmem:s11], [sflag:$0x2], $0x4000, $0x38;
	[tilespmem:$0x10800] =	vst v63  }
0xb9: {  	s1 =	sadd.s32 $0xFFFFFFFF, s1;
	_ =	swait.ge [sflag:s4], $0x4000  }
0xba: {  	p0 =	por $0x1, $0x1;
	s0 =	rddreg [dreg:$0x3];
	[sflag:s4] =	ssyncset.done $0x0  }
.LBB2_2:
0xbb: {  	[sflag:s4] =	ssyncadd.s32 $0xFFFFC000  }
0xbc: {  	[tilespmem:s2], [sflag:$0x2] =	stream.linear.gather [hbm4b:s0+s2], $0x200, $0x38;
	[tilespmem:$0x10800] =	vst v63  }
0xbd: {  	_ =	swait.ge [sflag:s4], $0x200  }
0xbe: {  	[sflag:s4] =	ssyncset.done $0x0  }
0xbf: {  	s0 =	rddreg [dreg:$0x4];
	[sflag:s4] =	ssyncadd.s32 $0xFFFFFE00  }
0xc0: {  	[tilespmem:s29], [sflag:$0x2] =	stream.linear.gather [hbm4b:s0+s2], $0x200, $0x38;
	[tilespmem:$0x10800] =	vst v63  }
0xc1: {  	_ =	swait.ge [sflag:s4], $0x200  }
0xc2: {  	[sflag:s4] =	ssyncset.done $0x0  }
0xc3: {  	s0 =	rddreg [dreg:$0x5];
	[sflag:s4] =	ssyncadd.s32 $0xFFFFFE00  }
0xc4: {  	[tilespmem:s30], [sflag:$0x2] =	stream.linear.gather [hbm4b:s0+s2], $0x200, $0x38;
	[tilespmem:$0x10800] =	vst v63  }
0xc5: {  	_ =	swait.ge [sflag:s4], $0x200  }
0xc6: {  	[sflag:s4] =	ssyncset.done $0x0  }
0xc7: {  	s0 =	rddreg [dreg:$0x6];
	[sflag:s4] =	ssyncadd.s32 $0xFFFFFE00  }
0xc8: {  	[tilespmem:s31], [sflag:$0x2] =	stream.linear.gather [hbm4b:s0+s2], $0x200, $0x38;
	[tilespmem:$0x10800] =	vst v63  }
0xc9: {  	_ =	swait.ge [sflag:s4], $0x200  }
0xca: {  	[sflag:s4] =	ssyncset.done $0x0  }
0xcb: {  	[sflag:s4] =	ssyncadd.s32 $0xFFFFFE00  }
0xcc: {  	[tilespmem:s14], [sflag:$0x1] =	stream.indirect.gather [hbm4b:s3+s16], $0x80, s2, s16, $0xb8;
	[tilespmem:$0x10800] =	vst v63  }
0xcd: {  	_ = 	snop  }
0xce: {  	[tilespmem:s13], [sflag:$0x1] =	stream.indirect.gather [hbm4b:s6+s16], $0x80, s29, s16, $0xb8;
	[tilespmem:$0x10800] =	vst v63  }
0xcf: {  	_ = 	snop  }
0xd0: {  	[tilespmem:s12], [sflag:$0x1] =	stream.indirect.gather [hbm4b:s7+s16], $0x80, s30, s16, $0xb8;
	[tilespmem:$0x10800] =	vst v63  }
0xd1: {  	_ = 	snop  }
0xd2: {  	[tilespmem:s11], [sflag:$0x1] =	stream.indirect.gather [hbm4b:s10+s16], $0x80, s31, s16, $0xb8;
	[tilespmem:$0x10800] =	vst v63  }
0xd3: {  	_ =	swait.ge [sflag:s15], $0x4000  }
0xd4: {  	[sflag:s15] =	ssyncset.done $0x0  }
0xd5: {  	[sflag:s15] =	ssyncadd.s32 $0xFFFFC000  }
0xd6: {  	_ =	swait.ge [sflag:s15], $0x4000  }
0xd7: {  	[sflag:s15] =	ssyncset.done $0x0  }
0xd8: {  	[sflag:s15] =	ssyncadd.s32 $0xFFFFC000  }
0xd9: {  	_ =	swait.ge [sflag:s15], $0x4000  }
0xda: {  	[sflag:s15] =	ssyncset.done $0x0  }
0xdb: {  	[sflag:s15] =	ssyncadd.s32 $0xFFFFC000  }
0xdc: {  	_ =	swait.ge [sflag:s15], $0x4000  }
0xdd: {  	[sflag:s15] =	ssyncset.done $0x0  }
0xde: {  	s0 =	rddreg [dreg:$0x7];
	[sflag:s15] =	ssyncadd.s32 $0xFFFFC000  }
0xdf: {  	[hbm4b:s0+s2] =	stream.linear.scatter [tilespmem:s14], [sflag:$0x2], $0x4000, $0x38;
	[tilespmem:$0x10800] =	vst v63  }
0xe0: {  	_ =	swait.ge [sflag:s4], $0x4000  }
0xe1: {  	[sflag:s4] =	ssyncset.done $0x0  }
0xe2: {  	s0 =	rddreg [dreg:$0x8];
	[sflag:s4] =	ssyncadd.s32 $0xFFFFC000  }
0xe3: {  	[hbm4b:s0+s2] =	stream.linear.scatter [tilespmem:s13], [sflag:$0x2], $0x4000, $0x38;
	[tilespmem:$0x10800] =	vst v63  }
0xe4: {  	_ =	swait.ge [sflag:s4], $0x4000  }
0xe5: {  	[sflag:s4] =	ssyncset.done $0x0  }
0xe6: {  	s0 =	rddreg [dreg:$0x9];
	[sflag:s4] =	ssyncadd.s32 $0xFFFFC000  }
0xe7: {  	[hbm4b:s0+s2] =	stream.linear.scatter [tilespmem:s12], [sflag:$0x2], $0x4000, $0x38;
	[tilespmem:$0x10800] =	vst v63  }
0xe8: {  	_ =	swait.ge [sflag:s4], $0x4000  }
0xe9: {  	[sflag:s4] =	ssyncset.done $0x0  }
0xea: {  	s0 =	rddreg [dreg:$0xa];
	[sflag:s4] =	ssyncadd.s32 $0xFFFFC000  }
0xeb: {  	[hbm4b:s0+s2] =	stream.linear.scatter [tilespmem:s11], [sflag:$0x2], $0x4000, $0x38;
	[tilespmem:$0x10800] =	vst v63  }
0xec: {  	_ =	swait.ge [sflag:s4], $0x4000  }
0xed: {  	[sflag:s4] =	ssyncset.done $0x0  }
0xee: {  	[sflag:s4] =	ssyncadd.s32 $0xFFFFC000  }
0xef: {  	[tilespmem:s14], [sflag:$0x1] =	stream.indirect.gather [hbm4b:s3+s16], $0x80, s16, s16, $0xb8;
	[tilespmem:$0x10800] =	vst v63  }
0xf0: {  	_ = 	snop  }
0xf1: {  	[tilespmem:s13], [sflag:$0x1] =	stream.indirect.gather [hbm4b:s6+s16], $0x80, s25, s16, $0xb8;
	[tilespmem:$0x10800] =	vst v63  }
0xf2: {  	_ = 	snop  }
0xf3: {  	[tilespmem:s12], [sflag:$0x1] =	stream.indirect.gather [hbm4b:s7+s16], $0x80, s26, s16, $0xb8;
	[tilespmem:$0x10800] =	vst v63  }
0xf4: {  	_ = 	snop  }
0xf5: {  	[tilespmem:s11], [sflag:$0x1] =	stream.indirect.gather [hbm4b:s10+s16], $0x80, s28, s16, $0xb8;
	[tilespmem:$0x10800] =	vst v63  }
0xf6: {  	_ =	swait.ge [sflag:s15], $0x4000  }
0xf7: {  	[sflag:s15] =	ssyncset.done $0x0  }
0xf8: {  	[sflag:s15] =	ssyncadd.s32 $0xFFFFC000  }
0xf9: {  	_ =	swait.ge [sflag:s15], $0x4000  }
0xfa: {  	[sflag:s15] =	ssyncset.done $0x0  }
0xfb: {  	[sflag:s15] =	ssyncadd.s32 $0xFFFFC000  }
0xfc: {  	_ =	swait.ge [sflag:s15], $0x4000  }
0xfd: {  	[sflag:s15] =	ssyncset.done $0x0  }
0xfe: {  	[sflag:s15] =	ssyncadd.s32 $0xFFFFC000  }
0xff: {  	_ =	swait.ge [sflag:s15], $0x4000  }
0x100: {  	[sflag:s15] =	ssyncset.done $0x0  }
0x101: {  	s0 =	rddreg [dreg:$0xb];
	[sflag:s15] =	ssyncadd.s32 $0xFFFFC000  }
0x102: {  	[hbm4b:s0+s2] =	stream.linear.scatter [tilespmem:s14], [sflag:$0x2], $0x4000, $0x38;
	[tilespmem:$0x10800] =	vst v63  }
0x103: {  	_ =	swait.ge [sflag:s4], $0x4000  }
0x104: {  	[sflag:s4] =	ssyncset.done $0x0  }
0x105: {  	s0 =	rddreg [dreg:$0xc];
	[sflag:s4] =	ssyncadd.s32 $0xFFFFC000  }
0x106: {  	[hbm4b:s0+s2] =	stream.linear.scatter [tilespmem:s13], [sflag:$0x2], $0x4000, $0x38;
	[tilespmem:$0x10800] =	vst v63  }
0x107: {  	_ =	swait.ge [sflag:s4], $0x4000  }
0x108: {  	[sflag:s4] =	ssyncset.done $0x0  }
0x109: {  	s0 =	rddreg [dreg:$0xd];
	[sflag:s4] =	ssyncadd.s32 $0xFFFFC000  }
0x10a: {  	[hbm4b:s0+s2] =	stream.linear.scatter [tilespmem:s12], [sflag:$0x2], $0x4000, $0x38;
	[tilespmem:$0x10800] =	vst v63  }
0x10b: {  	_ =	swait.ge [sflag:s4], $0x4000  }
0x10c: {  	[sflag:s4] =	ssyncset.done $0x0  }
0x10d: {  	s0 =	rddreg [dreg:$0xe];
	[sflag:s4] =	ssyncadd.s32 $0xFFFFC000  }
0x10e: {  	[hbm4b:s0+s2] =	stream.linear.scatter [tilespmem:s11], [sflag:$0x2], $0x4000, $0x38;
	[tilespmem:$0x10800] =	vst v63  }
0x10f: {  	_ =	swait.ge [sflag:s4], $0x4000  }
0x110: {  	[sflag:s4] =	ssyncset.done $0x0  }
0x111: {  	[sflag:s4] =	ssyncadd.s32 $0xFFFFC000  }
0x112: {  	[tilespmem:s14], [sflag:$0x1] =	stream.indirect.gather [hbm4b:s3+s16], $0x80, s21, s16, $0xb8;
	[tilespmem:$0x10800] =	vst v63  }
0x113: {  	_ = 	snop  }
0x114: {  	[tilespmem:s13], [sflag:$0x1] =	stream.indirect.gather [hbm4b:s6+s16], $0x80, s22, s16, $0xb8;
	[tilespmem:$0x10800] =	vst v63  }
0x115: {  	_ = 	snop  }
0x116: {  	[tilespmem:s12], [sflag:$0x1] =	stream.indirect.gather [hbm4b:s7+s16], $0x80, s23, s16, $0xb8;
	[tilespmem:$0x10800] =	vst v63  }
0x117: {  	_ = 	snop  }
0x118: {  	[tilespmem:s11], [sflag:$0x1] =	stream.indirect.gather [hbm4b:s10+s16], $0x80, s24, s16, $0xb8;
	[tilespmem:$0x10800] =	vst v63  }
0x119: {  	_ =	swait.ge [sflag:s15], $0x4000  }
0x11a: {  	[sflag:s15] =	ssyncset.done $0x0  }
0x11b: {  	[sflag:s15] =	ssyncadd.s32 $0xFFFFC000  }
0x11c: {  	_ =	swait.ge [sflag:s15], $0x4000  }
0x11d: {  	[sflag:s15] =	ssyncset.done $0x0  }
0x11e: {  	[sflag:s15] =	ssyncadd.s32 $0xFFFFC000  }
0x11f: {  	_ =	swait.ge [sflag:s15], $0x4000  }
0x120: {  	[sflag:s15] =	ssyncset.done $0x0  }
0x121: {  	[sflag:s15] =	ssyncadd.s32 $0xFFFFC000  }
0x122: {  	_ =	swait.ge [sflag:s15], $0x4000  }
0x123: {  	[sflag:s15] =	ssyncset.done $0x0  }
0x124: {  	s0 =	rddreg [dreg:$0xf];
	[sflag:s15] =	ssyncadd.s32 $0xFFFFC000  }
0x125: {  	[hbm4b:s0+s2] =	stream.linear.scatter [tilespmem:s14], [sflag:$0x2], $0x4000, $0x38;
	[tilespmem:$0x10800] =	vst v63  }
0x126: {  	_ =	swait.ge [sflag:s4], $0x4000  }
0x127: {  	[sflag:s4] =	ssyncset.done $0x0  }
0x128: {  	s0 =	rddreg [dreg:$0x10];
	[sflag:s4] =	ssyncadd.s32 $0xFFFFC000  }
0x129: {  	[hbm4b:s0+s2] =	stream.linear.scatter [tilespmem:s13], [sflag:$0x2], $0x4000, $0x38;
	[tilespmem:$0x10800] =	vst v63  }
0x12a: {  	_ =	swait.ge [sflag:s4], $0x4000  }
0x12b: {  	[sflag:s4] =	ssyncset.done $0x0  }
0x12c: {  	s0 =	rddreg [dreg:$0x11];
	[sflag:s4] =	ssyncadd.s32 $0xFFFFC000  }
0x12d: {  	[hbm4b:s0+s2] =	stream.linear.scatter [tilespmem:s12], [sflag:$0x2], $0x4000, $0x38;
	[tilespmem:$0x10800] =	vst v63  }
0x12e: {  	_ =	swait.ge [sflag:s4], $0x4000  }
0x12f: {  	[sflag:s4] =	ssyncset.done $0x0  }
0x130: {  	s0 =	rddreg [dreg:$0x12];
	[sflag:s4] =	ssyncadd.s32 $0xFFFFC000  }
0x131: {  	[hbm4b:s0+s2] =	stream.linear.scatter [tilespmem:s11], [sflag:$0x2], $0x4000, $0x38;
	[tilespmem:$0x10800] =	vst v63  }
0x132: {  	_ =	swait.ge [sflag:s4], $0x4000  }
0x133: {  	[sflag:s4] =	ssyncset.done $0x0  }
0x134: {  	[sflag:s4] =	ssyncadd.s32 $0xFFFFC000  }
0x135: {  	[tilespmem:s14], [sflag:$0x1] =	stream.indirect.gather [hbm4b:s3+s16], $0x80, s17, s16, $0xb8;
	[tilespmem:$0x10800] =	vst v63  }
0x136: {  	_ = 	snop  }
0x137: {  	[tilespmem:s13], [sflag:$0x1] =	stream.indirect.gather [hbm4b:s6+s16], $0x80, s18, s16, $0xb8;
	[tilespmem:$0x10800] =	vst v63  }
0x138: {  	_ = 	snop  }
0x139: {  	[tilespmem:s12], [sflag:$0x1] =	stream.indirect.gather [hbm4b:s7+s16], $0x80, s19, s16, $0xb8;
	[tilespmem:$0x10800] =	vst v63  }
0x13a: {  	_ = 	snop  }
0x13b: {  	[tilespmem:s11], [sflag:$0x1] =	stream.indirect.gather [hbm4b:s10+s16], $0x80, s20, s16, $0xb8;
	[tilespmem:$0x10800] =	vst v63  }
0x13c: {  	_ =	swait.ge [sflag:s15], $0x4000  }
0x13d: {  	[sflag:s15] =	ssyncset.done $0x0  }
0x13e: {  	[sflag:s15] =	ssyncadd.s32 $0xFFFFC000  }
0x13f: {  	_ =	swait.ge [sflag:s15], $0x4000  }
0x140: {  	[sflag:s15] =	ssyncset.done $0x0  }
0x141: {  	[sflag:s15] =	ssyncadd.s32 $0xFFFFC000  }
0x142: {  	_ =	swait.ge [sflag:s15], $0x4000  }
0x143: {  	[sflag:s15] =	ssyncset.done $0x0  }
0x144: {  	[sflag:s15] =	ssyncadd.s32 $0xFFFFC000  }
0x145: {  	_ =	swait.ge [sflag:s15], $0x4000  }
0x146: {  	[sflag:s15] =	ssyncset.done $0x0  }
0x147: {  	s0 =	rddreg [dreg:$0x13];
	[sflag:s15] =	ssyncadd.s32 $0xFFFFC000  }
0x148: {  	[hbm4b:s0+s2] =	stream.linear.scatter [tilespmem:s14], [sflag:$0x2], $0x4000, $0x38;
	[tilespmem:$0x10800] =	vst v63  }
0x149: {  	_ =	swait.ge [sflag:s4], $0x4000  }
0x14a: {  	[sflag:s4] =	ssyncset.done $0x0  }
0x14b: {  	[sflag:s4] =	ssyncadd.s32 $0xFFFFC000  }
0x14c: {  	[hbm4b:s9+s2] =	stream.linear.scatter [tilespmem:s13], [sflag:$0x2], $0x4000, $0x38;
	[tilespmem:$0x10800] =	vst v63  }
0x14d: {  	_ =	swait.ge [sflag:s4], $0x4000  }
0x14e: {  	[sflag:s4] =	ssyncset.done $0x0  }
0x14f: {  	[sflag:s4] =	ssyncadd.s32 $0xFFFFC000  }
0x150: {  	[hbm4b:s8+s2] =	stream.linear.scatter [tilespmem:s12], [sflag:$0x2], $0x4000, $0x38;
	[tilespmem:$0x10800] =	vst v63  }
0x151: {  	p1 =	sne.s32 s1, $0x1;
	_ =	swait.ge [sflag:s4], $0x4000  }
.Ltmp2:
0x152: {  	[sflag:s4] =	ssyncset.done $0x0;
	(pc) =	sbr.rel @p1 .LBB2_2-.Ltmp2, $4  }
0x153: {  	[sflag:s4] =	ssyncadd.s32 $0xFFFFC000  }
0x154: {  	[hbm4b:s5+s2] =	stream.linear.scatter [tilespmem:s11], [sflag:$0x2], $0x4000, $0x38;
	[tilespmem:$0x10800] =	vst v63  }
0x155: {  	_ =	swait.ge [sflag:s4], $0x4000  }
0x156: {  	s1 =	sadd.s32 $0xFFFFFFFF, s1;
	s0 =	rddreg [dreg:$0x3];
	[sflag:s4] =	ssyncset.done $0x0  }
.LBB2_3:
0x157: {  	[sflag:s4] =	ssyncadd.s32 @p0 $0xFFFFC000  }
0x158: {  	[tilespmem:s2], [sflag:$0x2] =	stream.linear.gather [hbm4b:s0+s2], $0x200, $0x38;
	[tilespmem:$0x10800] =	vst v63  }
0x159: {  	_ =	swait.ge [sflag:s4], $0x200  }
0x15a: {  	[sflag:s4] =	ssyncset.done $0x0  }
0x15b: {  	s1 =	rddreg [dreg:$0x4];
	[sflag:s4] =	ssyncadd.s32 $0xFFFFFE00  }
0x15c: {  	[tilespmem:s29], [sflag:$0x2] =	stream.linear.gather [hbm4b:s1+s2], $0x200, $0x38;
	[tilespmem:$0x10800] =	vst v63  }
0x15d: {  	_ =	swait.ge [sflag:s4], $0x200  }
0x15e: {  	[sflag:s4] =	ssyncset.done $0x0  }
0x15f: {  	s1 =	rddreg [dreg:$0x5];
	[sflag:s4] =	ssyncadd.s32 $0xFFFFFE00  }
0x160: {  	[tilespmem:s30], [sflag:$0x2] =	stream.linear.gather [hbm4b:s1+s2], $0x200, $0x38;
	[tilespmem:$0x10800] =	vst v63  }
0x161: {  	_ =	swait.ge [sflag:s4], $0x200  }
0x162: {  	[sflag:s4] =	ssyncset.done $0x0  }
0x163: {  	s1 =	rddreg [dreg:$0x6];
	[sflag:s4] =	ssyncadd.s32 $0xFFFFFE00  }
0x164: {  	[tilespmem:s31], [sflag:$0x2] =	stream.linear.gather [hbm4b:s1+s2], $0x200, $0x38;
	[tilespmem:$0x10800] =	vst v63  }
0x165: {  	_ =	swait.ge [sflag:s4], $0x200  }
0x166: {  	[sflag:s4] =	ssyncset.done $0x0  }
0x167: {  	[sflag:s4] =	ssyncadd.s32 $0xFFFFFE00  }
0x168: {  	[tilespmem:s14], [sflag:$0x1] =	stream.indirect.gather [hbm4b:s3+s16], $0x80, s2, s16, $0xb8;
	[tilespmem:$0x10800] =	vst v63  }
0x169: {  	_ = 	snop  }
0x16a: {  	[tilespmem:s13], [sflag:$0x1] =	stream.indirect.gather [hbm4b:s6+s16], $0x80, s29, s16, $0xb8;
	[tilespmem:$0x10800] =	vst v63  }
0x16b: {  	_ = 	snop  }
0x16c: {  	[tilespmem:s12], [sflag:$0x1] =	stream.indirect.gather [hbm4b:s7+s16], $0x80, s30, s16, $0xb8;
	[tilespmem:$0x10800] =	vst v63  }
0x16d: {  	_ = 	snop  }
0x16e: {  	[tilespmem:s11], [sflag:$0x1] =	stream.indirect.gather [hbm4b:s10+s16], $0x80, s31, s16, $0xb8;
	[tilespmem:$0x10800] =	vst v63  }
0x16f: {  	_ =	swait.ge [sflag:s15], $0x4000  }
0x170: {  	[sflag:s15] =	ssyncset.done $0x0  }
0x171: {  	[sflag:s15] =	ssyncadd.s32 $0xFFFFC000  }
0x172: {  	_ =	swait.ge [sflag:s15], $0x4000  }
0x173: {  	[sflag:s15] =	ssyncset.done $0x0  }
0x174: {  	[sflag:s15] =	ssyncadd.s32 $0xFFFFC000  }
0x175: {  	_ =	swait.ge [sflag:s15], $0x4000  }
0x176: {  	[sflag:s15] =	ssyncset.done $0x0  }
0x177: {  	[sflag:s15] =	ssyncadd.s32 $0xFFFFC000  }
0x178: {  	_ =	swait.ge [sflag:s15], $0x4000  }
0x179: {  	[sflag:s15] =	ssyncset.done $0x0  }
0x17a: {  	s29 =	rddreg [dreg:$0x7];
	[sflag:s15] =	ssyncadd.s32 $0xFFFFC000  }
0x17b: {  	[hbm4b:s29+s2] =	stream.linear.scatter [tilespmem:s14], [sflag:$0x2], $0x4000, $0x38;
	[tilespmem:$0x10800] =	vst v63  }
0x17c: {  	_ =	swait.ge [sflag:s4], $0x4000  }
0x17d: {  	[sflag:s4] =	ssyncset.done $0x0  }
0x17e: {  	s30 =	rddreg [dreg:$0x8];
	[sflag:s4] =	ssyncadd.s32 $0xFFFFC000  }
0x17f: {  	[hbm4b:s30+s2] =	stream.linear.scatter [tilespmem:s13], [sflag:$0x2], $0x4000, $0x38;
	[tilespmem:$0x10800] =	vst v63  }
0x180: {  	_ =	swait.ge [sflag:s4], $0x4000  }
0x181: {  	[sflag:s4] =	ssyncset.done $0x0  }
0x182: {  	s31 =	rddreg [dreg:$0x9];
	[sflag:s4] =	ssyncadd.s32 $0xFFFFC000  }
0x183: {  	[hbm4b:s31+s2] =	stream.linear.scatter [tilespmem:s12], [sflag:$0x2], $0x4000, $0x38;
	[tilespmem:$0x10800] =	vst v63  }
0x184: {  	_ =	swait.ge [sflag:s4], $0x4000  }
0x185: {  	[sflag:s4] =	ssyncset.done $0x0  }
0x186: {  	s1 =	rddreg [dreg:$0xa];
	[sflag:s4] =	ssyncadd.s32 $0xFFFFC000  }
0x187: {  	[hbm4b:s1+s2] =	stream.linear.scatter [tilespmem:s11], [sflag:$0x2], $0x4000, $0x38;
	[tilespmem:$0x10800] =	vst v63  }
0x188: {  	_ =	swait.ge [sflag:s4], $0x4000  }
0x189: {  	[sflag:s4] =	ssyncset.done $0x0  }
0x18a: {  	[sflag:s4] =	ssyncadd.s32 $0xFFFFC000  }
0x18b: {  	[tilespmem:s14], [sflag:$0x1] =	stream.indirect.gather [hbm4b:s3+s16], $0x80, s16, s16, $0xb8;
	[tilespmem:$0x10800] =	vst v63  }
0x18c: {  	_ = 	snop  }
0x18d: {  	[tilespmem:s13], [sflag:$0x1] =	stream.indirect.gather [hbm4b:s6+s16], $0x80, s25, s16, $0xb8;
	[tilespmem:$0x10800] =	vst v63  }
0x18e: {  	_ = 	snop  }
0x18f: {  	[tilespmem:s12], [sflag:$0x1] =	stream.indirect.gather [hbm4b:s7+s16], $0x80, s26, s16, $0xb8;
	[tilespmem:$0x10800] =	vst v63  }
0x190: {  	_ = 	snop  }
0x191: {  	[tilespmem:s11], [sflag:$0x1] =	stream.indirect.gather [hbm4b:s10+s16], $0x80, s28, s16, $0xb8;
	[tilespmem:$0x10800] =	vst v63  }
0x192: {  	_ =	swait.ge [sflag:s15], $0x4000  }
0x193: {  	[sflag:s15] =	ssyncset.done $0x0  }
0x194: {  	[sflag:s15] =	ssyncadd.s32 $0xFFFFC000  }
0x195: {  	_ =	swait.ge [sflag:s15], $0x4000  }
0x196: {  	[sflag:s15] =	ssyncset.done $0x0  }
0x197: {  	[sflag:s15] =	ssyncadd.s32 $0xFFFFC000  }
0x198: {  	_ =	swait.ge [sflag:s15], $0x4000  }
0x199: {  	[sflag:s15] =	ssyncset.done $0x0  }
0x19a: {  	[sflag:s15] =	ssyncadd.s32 $0xFFFFC000  }
0x19b: {  	_ =	swait.ge [sflag:s15], $0x4000  }
0x19c: {  	[sflag:s15] =	ssyncset.done $0x0  }
0x19d: {  	s29 =	rddreg [dreg:$0xb];
	[sflag:s15] =	ssyncadd.s32 $0xFFFFC000  }
0x19e: {  	[hbm4b:s29+s2] =	stream.linear.scatter [tilespmem:s14], [sflag:$0x2], $0x4000, $0x38;
	[tilespmem:$0x10800] =	vst v63  }
0x19f: {  	_ =	swait.ge [sflag:s4], $0x4000  }
0x1a0: {  	[sflag:s4] =	ssyncset.done $0x0  }
0x1a1: {  	s30 =	rddreg [dreg:$0xc];
	[sflag:s4] =	ssyncadd.s32 $0xFFFFC000  }
0x1a2: {  	[hbm4b:s30+s2] =	stream.linear.scatter [tilespmem:s13], [sflag:$0x2], $0x4000, $0x38;
	[tilespmem:$0x10800] =	vst v63  }
0x1a3: {  	_ =	swait.ge [sflag:s4], $0x4000  }
0x1a4: {  	[sflag:s4] =	ssyncset.done $0x0  }
0x1a5: {  	s31 =	rddreg [dreg:$0xd];
	[sflag:s4] =	ssyncadd.s32 $0xFFFFC000  }
0x1a6: {  	[hbm4b:s31+s2] =	stream.linear.scatter [tilespmem:s12], [sflag:$0x2], $0x4000, $0x38;
	[tilespmem:$0x10800] =	vst v63  }
0x1a7: {  	_ =	swait.ge [sflag:s4], $0x4000  }
0x1a8: {  	[sflag:s4] =	ssyncset.done $0x0  }
0x1a9: {  	s1 =	rddreg [dreg:$0xe];
	[sflag:s4] =	ssyncadd.s32 $0xFFFFC000  }
0x1aa: {  	[hbm4b:s1+s2] =	stream.linear.scatter [tilespmem:s11], [sflag:$0x2], $0x4000, $0x38;
	[tilespmem:$0x10800] =	vst v63  }
0x1ab: {  	_ =	swait.ge [sflag:s4], $0x4000  }
0x1ac: {  	[sflag:s4] =	ssyncset.done $0x0  }
0x1ad: {  	[sflag:s4] =	ssyncadd.s32 $0xFFFFC000  }
0x1ae: {  	[tilespmem:s14], [sflag:$0x1] =	stream.indirect.gather [hbm4b:s3+s16], $0x80, s21, s16, $0xb8;
	[tilespmem:$0x10800] =	vst v63  }
0x1af: {  	_ = 	snop  }
0x1b0: {  	[tilespmem:s13], [sflag:$0x1] =	stream.indirect.gather [hbm4b:s6+s16], $0x80, s22, s16, $0xb8;
	[tilespmem:$0x10800] =	vst v63  }
0x1b1: {  	_ = 	snop  }
0x1b2: {  	[tilespmem:s12], [sflag:$0x1] =	stream.indirect.gather [hbm4b:s7+s16], $0x80, s23, s16, $0xb8;
	[tilespmem:$0x10800] =	vst v63  }
0x1b3: {  	_ = 	snop  }
0x1b4: {  	[tilespmem:s11], [sflag:$0x1] =	stream.indirect.gather [hbm4b:s10+s16], $0x80, s24, s16, $0xb8;
	[tilespmem:$0x10800] =	vst v63  }
0x1b5: {  	_ =	swait.ge [sflag:s15], $0x4000  }
0x1b6: {  	[sflag:s15] =	ssyncset.done $0x0  }
0x1b7: {  	[sflag:s15] =	ssyncadd.s32 $0xFFFFC000  }
0x1b8: {  	_ =	swait.ge [sflag:s15], $0x4000  }
0x1b9: {  	[sflag:s15] =	ssyncset.done $0x0  }
0x1ba: {  	[sflag:s15] =	ssyncadd.s32 $0xFFFFC000  }
0x1bb: {  	_ =	swait.ge [sflag:s15], $0x4000  }
0x1bc: {  	[sflag:s15] =	ssyncset.done $0x0  }
0x1bd: {  	[sflag:s15] =	ssyncadd.s32 $0xFFFFC000  }
0x1be: {  	_ =	swait.ge [sflag:s15], $0x4000  }
0x1bf: {  	[sflag:s15] =	ssyncset.done $0x0  }
0x1c0: {  	s25 =	rddreg [dreg:$0xf];
	[sflag:s15] =	ssyncadd.s32 $0xFFFFC000  }
0x1c1: {  	[hbm4b:s25+s2] =	stream.linear.scatter [tilespmem:s14], [sflag:$0x2], $0x4000, $0x38;
	[tilespmem:$0x10800] =	vst v63  }
0x1c2: {  	_ =	swait.ge [sflag:s4], $0x4000  }
0x1c3: {  	[sflag:s4] =	ssyncset.done $0x0  }
0x1c4: {  	s26 =	rddreg [dreg:$0x10];
	[sflag:s4] =	ssyncadd.s32 $0xFFFFC000  }
0x1c5: {  	[hbm4b:s26+s2] =	stream.linear.scatter [tilespmem:s13], [sflag:$0x2], $0x4000, $0x38;
	[tilespmem:$0x10800] =	vst v63  }
0x1c6: {  	_ =	swait.ge [sflag:s4], $0x4000  }
0x1c7: {  	[sflag:s4] =	ssyncset.done $0x0  }
0x1c8: {  	s28 =	rddreg [dreg:$0x11];
	[sflag:s4] =	ssyncadd.s32 $0xFFFFC000  }
0x1c9: {  	[hbm4b:s28+s2] =	stream.linear.scatter [tilespmem:s12], [sflag:$0x2], $0x4000, $0x38;
	[tilespmem:$0x10800] =	vst v63  }
0x1ca: {  	_ =	swait.ge [sflag:s4], $0x4000  }
0x1cb: {  	[sflag:s4] =	ssyncset.done $0x0  }
0x1cc: {  	s29 =	rddreg [dreg:$0x12];
	[sflag:s4] =	ssyncadd.s32 $0xFFFFC000  }
0x1cd: {  	[hbm4b:s29+s2] =	stream.linear.scatter [tilespmem:s11], [sflag:$0x2], $0x4000, $0x38;
	[tilespmem:$0x10800] =	vst v63  }
0x1ce: {  	_ =	swait.ge [sflag:s4], $0x4000  }
0x1cf: {  	[sflag:s4] =	ssyncset.done $0x0  }
0x1d0: {  	[sflag:s4] =	ssyncadd.s32 $0xFFFFC000  }
0x1d1: {  	[tilespmem:s14], [sflag:$0x1] =	stream.indirect.gather [hbm4b:s3+s16], $0x80, s17, s16, $0xb8;
	[tilespmem:$0x10800] =	vst v63  }
0x1d2: {  	_ = 	snop  }
0x1d3: {  	[tilespmem:s13], [sflag:$0x1] =	stream.indirect.gather [hbm4b:s6+s16], $0x80, s18, s16, $0xb8;
	[tilespmem:$0x10800] =	vst v63  }
0x1d4: {  	_ = 	snop  }
0x1d5: {  	[tilespmem:s12], [sflag:$0x1] =	stream.indirect.gather [hbm4b:s7+s16], $0x80, s19, s16, $0xb8;
	[tilespmem:$0x10800] =	vst v63  }
0x1d6: {  	_ = 	snop  }
0x1d7: {  	[tilespmem:s11], [sflag:$0x1] =	stream.indirect.gather [hbm4b:s10+s16], $0x80, s20, s16, $0xb8;
	[tilespmem:$0x10800] =	vst v63  }
0x1d8: {  	_ =	swait.ge [sflag:s15], $0x4000  }
0x1d9: {  	[sflag:s15] =	ssyncset.done $0x0  }
0x1da: {  	[sflag:s15] =	ssyncadd.s32 $0xFFFFC000  }
0x1db: {  	_ =	swait.ge [sflag:s15], $0x4000  }
0x1dc: {  	[sflag:s15] =	ssyncset.done $0x0  }
0x1dd: {  	[sflag:s15] =	ssyncadd.s32 $0xFFFFC000  }
0x1de: {  	_ =	swait.ge [sflag:s15], $0x4000  }
0x1df: {  	[sflag:s15] =	ssyncset.done $0x0  }
0x1e0: {  	[sflag:s15] =	ssyncadd.s32 $0xFFFFC000  }
0x1e1: {  	_ =	swait.ge [sflag:s15], $0x4000  }
0x1e2: {  	[sflag:s15] =	ssyncset.done $0x0  }
0x1e3: {  	s30 =	rddreg [dreg:$0x13];
	[sflag:s15] =	ssyncadd.s32 $0xFFFFC000  }
0x1e4: {  	[hbm4b:s30+s2] =	stream.linear.scatter [tilespmem:s14], [sflag:$0x2], $0x4000, $0x38;
	[tilespmem:$0x10800] =	vst v63  }
0x1e5: {  	_ =	swait.ge [sflag:s4], $0x4000  }
0x1e6: {  	[sflag:s4] =	ssyncset.done $0x0  }
0x1e7: {  	[sflag:s4] =	ssyncadd.s32 $0xFFFFC000  }
0x1e8: {  	[hbm4b:s9+s2] =	stream.linear.scatter [tilespmem:s13], [sflag:$0x2], $0x4000, $0x38;
	[tilespmem:$0x10800] =	vst v63  }
0x1e9: {  	_ =	swait.ge [sflag:s4], $0x4000  }
0x1ea: {  	[sflag:s4] =	ssyncset.done $0x0  }
0x1eb: {  	[sflag:s4] =	ssyncadd.s32 $0xFFFFC000  }
0x1ec: {  	[hbm4b:s8+s2] =	stream.linear.scatter [tilespmem:s12], [sflag:$0x2], $0x4000, $0x38;
	[tilespmem:$0x10800] =	vst v63  }
0x1ed: {  	_ =	swait.ge [sflag:s4], $0x4000  }
0x1ee: {  	[sflag:s4] =	ssyncset.done $0x0  }
0x1ef: {  	[sflag:s4] =	ssyncadd.s32 $0xFFFFC000  }
0x1f0: {  	[hbm4b:s5+s2] =	stream.linear.scatter [tilespmem:s11], [sflag:$0x2], $0x4000, $0x38;
	[tilespmem:$0x10800] =	vst v63  }
0x1f1: {  	_ =	swait.ge [sflag:s4], $0x4000  }
0x1f2: {  	[sflag:s4] =	ssyncset.done $0x0  }
0x1f3: {  	[sflag:s4] =	ssyncadd.s32 $0xFFFFC000  }
0x1f4: {  	_ =	sfence.sel $0x180000  }
0x1f5: {  	[bflag:$0x0] =	sbarrier.arrive $0xFFFF  }
0x1f6: {  	_ =	strace $0x90000047  }
0x1f7: {  	s31 =	stileid.u32;
	[bflag:$0x2] =	sbarrier.arrive $0xFFFF  }
0x1f8: {  	p0 =	sne.s32 s31, $0x0;
	s0 =	rddreg [dreg:$0x2]  }
0x1f9: {  	s0 =	sadd.s32 @!p0 $0x100000, s0  }
0x1fa: {  	[sflag:s0] =	ssyncadd.tile.s32 @!p0 $0x1;
	_ =	shalt  }
.Lfunc_end2:
_tile_overlayer_lowered:
.L_overlay_start_2:
0x1fb: {  	(tag) =	ssettag $0x2  }
0x1fc: {  	s0 =	rddreg [dreg:$0x0];
	s2 =	stileid.u32  }
0x1fd: {  	s1 =	rddreg [dreg:$0x1];
	p0 =	sne.s32 s2, $0x0  }
0x1fe: {  	s3 =	rddreg [dreg:$0x2];
	[bflag:$0x3] =	sbarrier.arrive $0xFFFF;
	s2 =	simm.s32 @!p0 $0x1C02  }
0x1ff: {  	[timem:s3], [sflag:s2] =	dma.local @!p0 [hbm:s0], s1  }
0x200: {  	s0 =	simm.s32 @!p0 $0x2  }
0x201: {  	_ =	swait.ge @!p0 [sflag:s0], s1  }
0x202: {  	s1 =	ssub.s32 @!p0 $0x0, s1;
	[sflag:s0] =	ssyncset.done @!p0 $0x0  }
0x203: {  	[sflag:s0] =	ssyncadd.s32 @!p0 s1  }
0x204: {  	[bflag:$0x3] =	sbarrier.arrive $0xFFFF  }
0x205: {  	_ =	shalt  }

</sc_bundles>
